<compile_context>
chip_gen: v7x
topology: tpu7x:2x2x1
jax: 0.10.2.dev20260603
libtpu: 0.0.44.dev20260713+nightly
codegen_flags: <defaults>
</compile_context>

<pallas_src>
import functools

import jax
import jax.numpy as jnp
from jax import lax
from jax.experimental import pallas as pl
from jax.experimental.pallas import tpu as pltpu
from jax.experimental.pallas import tpu_sc as plsc

T, D_MODEL, D_FF, E, TOP_K = 32, 768, 1536, 8, 2
HM = D_MODEL // 2
LANES = 16

_SC_MESH = plsc.VectorSubcoreMesh(core_axis_name="c", subcore_axis_name="s")


@functools.partial(
    pl.kernel,
    mesh=_SC_MESH,
    out_type=jax.ShapeDtypeStruct((E, T), jnp.float32),
    scratch_types=[
        pltpu.VMEM((TOP_K, T), jnp.int32),
        pltpu.VMEM((TOP_K, T), jnp.float32),
        pltpu.VMEM((E, T), jnp.float32),
    ],
)
def _gate_sc(ids_hbm, tw_hbm, out_hbm, ids_v, tw_v, out_v):
    wid = lax.axis_index("s") * 2 + lax.axis_index("c")

    @pl.when(wid == 0)
    def _():
        pltpu.sync_copy(ids_hbm, ids_v)
        pltpu.sync_copy(tw_hbm, tw_v)
        for e in range(E):
            for c in range(T // LANES):
                acc = jnp.zeros((LANES,), jnp.float32)
                for k in range(TOP_K):
                    idk = ids_v[k, pl.ds(c * LANES, LANES)]
                    twk = tw_v[k, pl.ds(c * LANES, LANES)]
                    acc = acc + jnp.where(idk == e, twk, 0.0)
                out_v[e, pl.ds(c * LANES, LANES)] = acc
        pltpu.sync_copy(out_v, out_hbm)


def _moe_body(g_ref, x_ref, w1_ref, w3_ref, w2a_ref, w2b_ref, out_ref):
    e = pl.program_id(0)

    @pl.when(e == 0)
    def _init():
        out_ref[...] = jnp.zeros_like(out_ref)

    x = x_ref[...]
    h1 = jax.lax.dot_general(
        x, w1_ref[0, 0], (((1,), (1,)), ((), ())),
        preferred_element_type=jnp.float32)
    h3 = jax.lax.dot_general(
        x, w3_ref[0, 0], (((1,), (1,)), ((), ())),
        preferred_element_type=jnp.float32)
    act = h1 * jax.nn.sigmoid(h1) * h3
    oa = jax.lax.dot_general(
        act, w2a_ref[0, 0], (((1,), (1,)), ((), ())),
        preferred_element_type=jnp.float32)
    ob = jax.lax.dot_general(
        act, w2b_ref[0, 0], (((1,), (1,)), ((), ())),
        preferred_element_type=jnp.float32)

    gate = jnp.transpose(g_ref[pl.ds(e, 1), :])
    out_ref[:, :HM] += gate * oa
    out_ref[:, HM:] += gate * ob


@jax.jit
def kernel(x, topk_ids, topk_weight, w13_weight, w2_weight):
    gates = _gate_sc(topk_ids.T, topk_weight.T)
    w13 = w13_weight.reshape(E, 2, D_FF, D_MODEL)
    w2 = w2_weight.reshape(E, 2, HM, D_FF)
    return pl.pallas_call(
        _moe_body,
        grid=(E,),
        in_specs=[
            pl.BlockSpec((E, T), lambda e: (0, 0)),
            pl.BlockSpec((T, D_MODEL), lambda e: (0, 0)),
            pl.BlockSpec((1, 1, D_FF, D_MODEL), lambda e: (e, 0, 0, 0)),
            pl.BlockSpec((1, 1, D_FF, D_MODEL), lambda e: (e, 1, 0, 0)),
            pl.BlockSpec((1, 1, HM, D_FF), lambda e: (e, 0, 0, 0)),
            pl.BlockSpec((1, 1, HM, D_FF), lambda e: (e, 1, 0, 0)),
        ],
        out_specs=pl.BlockSpec((T, D_MODEL), lambda e: (0, 0)),
        out_shape=jax.ShapeDtypeStruct((T, D_MODEL), jnp.float32),
    )(gates, x, w13, w13, w2, w2)

# --- scband reference (transcript-rebuilt; emitter-appended) ---
"""Pipeline reference for scband-fused-mo-e-11716670783495 (READ-ONLY COPY).

The authoritative reference and input builder live on the scoring server;
editing this copy changes nothing except your own understanding.
"""

import jax, jax.numpy as jnp
import numpy as np

T, D_MODEL, D_FF, E, TOP_K = 32, 768, 1536, 8, 2

def setup_inputs(seed: int = 0) -> dict:
    key = jax.random.key(seed)
    ks = jax.random.split(key, 5)
    x = jax.random.normal(ks[0], (T, D_MODEL), dtype=jnp.float32)
    topk_ids = jax.random.randint(ks[1], (T, TOP_K), 0, E, dtype=jnp.int32)
    topk_weight = jax.random.uniform(ks[2], (T, TOP_K), dtype=jnp.float32)
    # Learned parameters sized per init_kwargs: stacked expert weights.
    # w13_weight[e] = cat([gate_proj.weight, up_proj.weight], dim=0) -> [2*d_ff, d_model]
    # w2_weight[e]  = down_proj.weight -> [d_model, d_ff]
    w13_weight = jax.random.normal(ks[3], (E, 2 * D_FF, D_MODEL), dtype=jnp.float32) * 0.02
    w2_weight = jax.random.normal(ks[4], (E, D_MODEL, D_FF), dtype=jnp.float32) * 0.02
    return {"x": x, "topk_ids": topk_ids, "topk_weight": topk_weight, "w13_weight": w13_weight, "w2_weight": w2_weight}

def reference(x, topk_ids, topk_weight, w13_weight, w2_weight):
    # gather per-token expert weights (SparseCore gather)
    w13_weights = jnp.take(w13_weight, topk_ids, axis=0)  # [T, a, 2*d_ff, d_model]
    w1_weights, w3_weights = jnp.split(w13_weights, 2, axis=2)  # each [T, a, d_ff, d_model]
    w2_weights = jnp.take(w2_weight, topk_ids, axis=0)  # [T, a, d_model, d_ff]
    x1 = jnp.einsum('ti,taoi->tao', x, w1_weights)
    x1 = x1 * jax.nn.sigmoid(x1)  # F.silu
    x3 = jnp.einsum('ti,taoi->tao', x, w3_weights)
    expert_outs = jnp.einsum('tao,taio->tai', x1 * x3, w2_weights)
    return jnp.einsum('tai,ta->ti', expert_outs, topk_weight.astype(expert_outs.dtype))

if __name__ == "__main__":
    import jax
    _d = setup_inputs()
    print(jax.jit(kernel)(*tuple(_d.values())))

</pallas_src>

<mosaic_0001>
#map = affine_map<(d0, d1) -> (0, 0)>
module attributes {stable_mosaic.version = 14 : i64} {
  func.func @_gate_sc(%arg0: i32, %arg1: i32, %arg2: memref<2x32xi32, #tpu.memory_space<hbm>>, %arg3: memref<2x32xf32, #tpu.memory_space<hbm>>, %arg4: memref<8x32xf32, #tpu.memory_space<hbm>>, %arg5: memref<2x32xi32, #tpu.memory_space<vmem>>, %arg6: memref<2x32xf32, #tpu.memory_space<vmem>>, %arg7: memref<8x32xf32, #tpu.memory_space<vmem>>) attributes {dimension_semantics = [#tpu.dimension_semantics<core_parallel>, #tpu.dimension_semantics<subcore_parallel>], iteration_bounds = array<i64: 2, 16>, scalar_prefetch = 0 : i64, scratch_operands = 3 : i64, tpu.core_type = #tpu.core_type<sc_vector_subcore>, window_params = [{transform_indices = #map}, {transform_indices = #map}, {transform_indices = #map}]} {
    %mul3A = arith.constant 2 : i32
    %mul3A_0 = arith.muli %arg1, %mul3A : i32
    %add3A = arith.addi %mul3A_0, %arg0 : i32
    %eq3A = arith.constant 0 : i32
    %eq3A_1 = arith.cmpi eq, %add3A, %eq3A : i32
    %convert_element_type3A = arith.extui %eq3A_1 : i1 to i32
    %cond3A = arith.constant 0 : i32
    %cond3A_2 = arith.cmpi ne, %convert_element_type3A, %cond3A : i32
    scf.if %cond3A_2 {
      "tpu.region"() ({
        %run_scoped3A = tpu.sem_alloc : memref<!tpu.dma_semaphore, #tpu.memory_space<semaphore_mem>>
        tpu.enqueue_dma source(%arg2 : memref<2x32xi32, #tpu.memory_space<hbm>>) target(%arg5 : memref<2x32xi32, #tpu.memory_space<vmem>>) target_semaphore(%run_scoped3A : memref<!tpu.dma_semaphore, #tpu.memory_space<semaphore_mem>>)
        tpu.wait_dma2 semaphore(%run_scoped3A : memref<!tpu.dma_semaphore, #tpu.memory_space<semaphore_mem>>) src(%arg2 : memref<2x32xi32, #tpu.memory_space<hbm>>) dst(%arg5 : memref<2x32xi32, #tpu.memory_space<vmem>>)
        tpu.yield
      }) : () -> ()
      "tpu.region"() ({
        %run_scoped3A = tpu.sem_alloc : memref<!tpu.dma_semaphore, #tpu.memory_space<semaphore_mem>>
        tpu.enqueue_dma source(%arg3 : memref<2x32xf32, #tpu.memory_space<hbm>>) target(%arg6 : memref<2x32xf32, #tpu.memory_space<vmem>>) target_semaphore(%run_scoped3A : memref<!tpu.dma_semaphore, #tpu.memory_space<semaphore_mem>>)
        tpu.wait_dma2 semaphore(%run_scoped3A : memref<!tpu.dma_semaphore, #tpu.memory_space<semaphore_mem>>) src(%arg3 : memref<2x32xf32, #tpu.memory_space<hbm>>) dst(%arg6 : memref<2x32xf32, #tpu.memory_space<vmem>>)
        tpu.yield
      }) : () -> ()
      %broadcast_in_dim3A = arith.constant 0.000000e+00 : f32
      %broadcast_in_dim3A_3 = vector.broadcast %broadcast_in_dim3A : f32 to vector<16xf32>
      %get3A = arith.constant 0 : i32
      %get3A_4 = arith.index_cast %get3A : i32 to index
      %get3A_5 = arith.constant 0 : index
      %get3A_6 = tpu.vector_load %arg5[%get3A_4, %get3A_5] {strides = array<i32>} : memref<2x32xi32, #tpu.memory_space<vmem>>, vector<1x16xi32>,
      %get3A_7 = vector.shape_cast %get3A_6 : vector<1x16xi32> to vector<16xi32>
      %get3A_8 = arith.constant 0 : i32
      %get3A_9 = arith.index_cast %get3A_8 : i32 to index
      %get3A_10 = arith.constant 0 : index
      %get3A_11 = tpu.vector_load %arg6[%get3A_9, %get3A_10] {strides = array<i32>} : memref<2x32xf32, #tpu.memory_space<vmem>>, vector<1x16xf32>,
      %get3A_12 = vector.shape_cast %get3A_11 : vector<1x16xf32> to vector<16xf32>
      %eq3A_13 = arith.constant 0 : i32
      %eq3A_14 = vector.broadcast %eq3A_13 : i32 to vector<16xi32>
      %eq3A_15 = arith.cmpi eq, %get3A_7, %eq3A_14 : vector<16xi32>
      %jit3A = arith.constant 0.000000e+00 : f32
      %broadcast_in_dim3A_16 = vector.broadcast %jit3A : f32 to vector<16xf32>
      %select_n3A = arith.select %eq3A_15, %get3A_12, %broadcast_in_dim3A_16 : vector<16xi1>, vector<16xf32>
      %add3A_17 = arith.addf %broadcast_in_dim3A_3, %select_n3A : vector<16xf32>
      %get3A_18 = arith.constant 1 : i32
      %get3A_19 = arith.index_cast %get3A_18 : i32 to index
      %get3A_20 = arith.constant 0 : index
      %get3A_21 = tpu.vector_load %arg5[%get3A_19, %get3A_20] {strides = array<i32>} : memref<2x32xi32, #tpu.memory_space<vmem>>, vector<1x16xi32>,
      %get3A_22 = vector.shape_cast %get3A_21 : vector<1x16xi32> to vector<16xi32>
      %get3A_23 = arith.constant 1 : i32
      %get3A_24 = arith.index_cast %get3A_23 : i32 to index
      %get3A_25 = arith.constant 0 : index
      %get3A_26 = tpu.vector_load %arg6[%get3A_24, %get3A_25] {strides = array<i32>} : memref<2x32xf32, #tpu.memory_space<vmem>>, vector<1x16xf32>,
      %get3A_27 = vector.shape_cast %get3A_26 : vector<1x16xf32> to vector<16xf32>
      %eq3A_28 = arith.constant 0 : i32
      %eq3A_29 = vector.broadcast %eq3A_28 : i32 to vector<16xi32>
      %eq3A_30 = arith.cmpi eq, %get3A_22, %eq3A_29 : vector<16xi32>
      %jit3A_31 = arith.constant 0.000000e+00 : f32
      %broadcast_in_dim3A_32 = vector.broadcast %jit3A_31 : f32 to vector<16xf32>
      %select_n3A_33 = arith.select %eq3A_30, %get3A_27, %broadcast_in_dim3A_32 : vector<16xi1>, vector<16xf32>
      %add3A_34 = arith.addf %add3A_17, %select_n3A_33 : vector<16xf32>
      %swap3A = arith.constant 0 : i32
      %swap3A_35 = arith.index_cast %swap3A : i32 to index
      %swap3A_36 = arith.constant 0 : index
      %swap3A_37 = tpu.vector_load %arg7[%swap3A_35, %swap3A_36] {strides = array<i32>} : memref<8x32xf32, #tpu.memory_space<vmem>>, vector<1x16xf32>,
      %swap3A_38 = vector.shape_cast %swap3A_37 : vector<1x16xf32> to vector<16xf32>
      %swap3A_39 = vector.shape_cast %add3A_34 : vector<16xf32> to vector<1x16xf32>
      tpu.vector_store %arg7[%swap3A_35, %swap3A_36], %swap3A_39 {strides = array<i32>} : memref<8x32xf32, #tpu.memory_space<vmem>>, vector<1x16xf32>,
      %broadcast_in_dim3A_40 = arith.constant 0.000000e+00 : f32
      %broadcast_in_dim3A_41 = vector.broadcast %broadcast_in_dim3A_40 : f32 to vector<16xf32>
      %get3A_42 = arith.constant 0 : i32
      %get3A_43 = arith.index_cast %get3A_42 : i32 to index
      %get3A_44 = arith.constant 16 : index
      %get3A_45 = tpu.vector_load %arg5[%get3A_43, %get3A_44] {strides = array<i32>} : memref<2x32xi32, #tpu.memory_space<vmem>>, vector<1x16xi32>,
      %get3A_46 = vector.shape_cast %get3A_45 : vector<1x16xi32> to vector<16xi32>
      %get3A_47 = arith.constant 0 : i32
      %get3A_48 = arith.index_cast %get3A_47 : i32 to index
      %get3A_49 = arith.constant 16 : index
      %get3A_50 = tpu.vector_load %arg6[%get3A_48, %get3A_49] {strides = array<i32>} : memref<2x32xf32, #tpu.memory_space<vmem>>, vector<1x16xf32>,
      %get3A_51 = vector.shape_cast %get3A_50 : vector<1x16xf32> to vector<16xf32>
      %eq3A_52 = arith.constant 0 : i32
      %eq3A_53 = vector.broadcast %eq3A_52 : i32 to vector<16xi32>
      %eq3A_54 = arith.cmpi eq, %get3A_46, %eq3A_53 : vector<16xi32>
      %jit3A_55 = arith.constant 0.000000e+00 : f32
      %broadcast_in_dim3A_56 = vector.broadcast %jit3A_55 : f32 to vector<16xf32>
      %select_n3A_57 = arith.select %eq3A_54, %get3A_51, %broadcast_in_dim3A_56 : vector<16xi1>, vector<16xf32>
      %add3A_58 = arith.addf %broadcast_in_dim3A_41, %select_n3A_57 : vector<16xf32>
      %get3A_59 = arith.constant 1 : i32
      %get3A_60 = arith.index_cast %get3A_59 : i32 to index
      %get3A_61 = arith.constant 16 : index
      %get3A_62 = tpu.vector_load %arg5[%get3A_60, %get3A_61] {strides = array<i32>} : memref<2x32xi32, #tpu.memory_space<vmem>>, vector<1x16xi32>,
      %get3A_63 = vector.shape_cast %get3A_62 : vector<1x16xi32> to vector<16xi32>
      %get3A_64 = arith.constant 1 : i32
      %get3A_65 = arith.index_cast %get3A_64 : i32 to index
      %get3A_66 = arith.constant 16 : index
      %get3A_67 = tpu.vector_load %arg6[%get3A_65, %get3A_66] {strides = array<i32>} : memref<2x32xf32, #tpu.memory_space<vmem>>, vector<1x16xf32>,
      %get3A_68 = vector.shape_cast %get3A_67 : vector<1x16xf32> to vector<16xf32>
      %eq3A_69 = arith.constant 0 : i32
      %eq3A_70 = vector.broadcast %eq3A_69 : i32 to vector<16xi32>
      %eq3A_71 = arith.cmpi eq, %get3A_63, %eq3A_70 : vector<16xi32>
      %jit3A_72 = arith.constant 0.000000e+00 : f32
      %broadcast_in_dim3A_73 = vector.broadcast %jit3A_72 : f32 to vector<16xf32>
      %select_n3A_74 = arith.select %eq3A_71, %get3A_68, %broadcast_in_dim3A_73 : vector<16xi1>, vector<16xf32>
      %add3A_75 = arith.addf %add3A_58, %select_n3A_74 : vector<16xf32>
      %swap3A_76 = arith.constant 0 : i32
      %swap3A_77 = arith.index_cast %swap3A_76 : i32 to index
      %swap3A_78 = arith.constant 16 : index
      %swap3A_79 = tpu.vector_load %arg7[%swap3A_77, %swap3A_78] {strides = array<i32>} : memref<8x32xf32, #tpu.memory_space<vmem>>, vector<1x16xf32>,
      %swap3A_80 = vector.shape_cast %swap3A_79 : vector<1x16xf32> to vector<16xf32>
      %swap3A_81 = vector.shape_cast %add3A_75 : vector<16xf32> to vector<1x16xf32>
      tpu.vector_store %arg7[%swap3A_77, %swap3A_78], %swap3A_81 {strides = array<i32>} : memref<8x32xf32, #tpu.memory_space<vmem>>, vector<1x16xf32>,
      %broadcast_in_dim3A_82 = arith.constant 0.000000e+00 : f32
      %broadcast_in_dim3A_83 = vector.broadcast %broadcast_in_dim3A_82 : f32 to vector<16xf32>
      %get3A_84 = arith.constant 0 : i32
      %get3A_85 = arith.index_cast %get3A_84 : i32 to index
      %get3A_86 = arith.constant 0 : index
      %get3A_87 = tpu.vector_load %arg5[%get3A_85, %get3A_86] {strides = array<i32>} : memref<2x32xi32, #tpu.memory_space<vmem>>, vector<1x16xi32>,
      %get3A_88 = vector.shape_cast %get3A_87 : vector<1x16xi32> to vector<16xi32>
      %get3A_89 = arith.constant 0 : i32
      %get3A_90 = arith.index_cast %get3A_89 : i32 to index
      %get3A_91 = arith.constant 0 : index
      %get3A_92 = tpu.vector_load %arg6[%get3A_90, %get3A_91] {strides = array<i32>} : memref<2x32xf32, #tpu.memory_space<vmem>>, vector<1x16xf32>,
      %get3A_93 = vector.shape_cast %get3A_92 : vector<1x16xf32> to vector<16xf32>
      %eq3A_94 = arith.constant 1 : i32
      %eq3A_95 = vector.broadcast %eq3A_94 : i32 to vector<16xi32>
      %eq3A_96 = arith.cmpi eq, %get3A_88, %eq3A_95 : vector<16xi32>
      %jit3A_97 = arith.constant 0.000000e+00 : f32
      %broadcast_in_dim3A_98 = vector.broadcast %jit3A_97 : f32 to vector<16xf32>
      %select_n3A_99 = arith.select %eq3A_96, %get3A_93, %broadcast_in_dim3A_98 : vector<16xi1>, vector<16xf32>
      %add3A_100 = arith.addf %broadcast_in_dim3A_83, %select_n3A_99 : vector<16xf32>
      %get3A_101 = arith.constant 1 : i32
      %get3A_102 = arith.index_cast %get3A_101 : i32 to index
      %get3A_103 = arith.constant 0 : index
      %get3A_104 = tpu.vector_load %arg5[%get3A_102, %get3A_103] {strides = array<i32>} : memref<2x32xi32, #tpu.memory_space<vmem>>, vector<1x16xi32>,
      %get3A_105 = vector.shape_cast %get3A_104 : vector<1x16xi32> to vector<16xi32>
      %get3A_106 = arith.constant 1 : i32
      %get3A_107 = arith.index_cast %get3A_106 : i32 to index
      %get3A_108 = arith.constant 0 : index
      %get3A_109 = tpu.vector_load %arg6[%get3A_107, %get3A_108] {strides = array<i32>} : memref<2x32xf32, #tpu.memory_space<vmem>>, vector<1x16xf32>,
      %get3A_110 = vector.shape_cast %get3A_109 : vector<1x16xf32> to vector<16xf32>
      %eq3A_111 = arith.constant 1 : i32
      %eq3A_112 = vector.broadcast %eq3A_111 : i32 to vector<16xi32>
      %eq3A_113 = arith.cmpi eq, %get3A_105, %eq3A_112 : vector<16xi32>
      %jit3A_114 = arith.constant 0.000000e+00 : f32
      %broadcast_in_dim3A_115 = vector.broadcast %jit3A_114 : f32 to vector<16xf32>
      %select_n3A_116 = arith.select %eq3A_113, %get3A_110, %broadcast_in_dim3A_115 : vector<16xi1>, vector<16xf32>
      %add3A_117 = arith.addf %add3A_100, %select_n3A_116 : vector<16xf32>
      %swap3A_118 = arith.constant 1 : i32
      %swap3A_119 = arith.index_cast %swap3A_118 : i32 to index
      %swap3A_120 = arith.constant 0 : index
      %swap3A_121 = tpu.vector_load %arg7[%swap3A_119, %swap3A_120] {strides = array<i32>} : memref<8x32xf32, #tpu.memory_space<vmem>>, vector<1x16xf32>,
      %swap3A_122 = vector.shape_cast %swap3A_121 : vector<1x16xf32> to vector<16xf32>
      %swap3A_123 = vector.shape_cast %add3A_117 : vector<16xf32> to vector<1x16xf32>
      tpu.vector_store %arg7[%swap3A_119, %swap3A_120], %swap3A_123 {strides = array<i32>} : memref<8x32xf32, #tpu.memory_space<vmem>>, vector<1x16xf32>,
      %broadcast_in_dim3A_124 = arith.constant 0.000000e+00 : f32
      %broadcast_in_dim3A_125 = vector.broadcast %broadcast_in_dim3A_124 : f32 to vector<16xf32>
      %get3A_126 = arith.constant 0 : i32
      %get3A_127 = arith.index_cast %get3A_126 : i32 to index
      %get3A_128 = arith.constant 16 : index
      %get3A_129 = tpu.vector_load %arg5[%get3A_127, %get3A_128] {strides = array<i32>} : memref<2x32xi32, #tpu.memory_space<vmem>>, vector<1x16xi32>,
      %get3A_130 = vector.shape_cast %get3A_129 : vector<1x16xi32> to vector<16xi32>
      %get3A_131 = arith.constant 0 : i32
      %get3A_132 = arith.index_cast %get3A_131 : i32 to index
      %get3A_133 = arith.constant 16 : index
      %get3A_134 = tpu.vector_load %arg6[%get3A_132, %get3A_133] {strides = array<i32>} : memref<2x32xf32, #tpu.memory_space<vmem>>, vector<1x16xf32>,
      %get3A_135 = vector.shape_cast %get3A_134 : vector<1x16xf32> to vector<16xf32>
      %eq3A_136 = arith.constant 1 : i32
      %eq3A_137 = vector.broadcast %eq3A_136 : i32 to vector<16xi32>
      %eq3A_138 = arith.cmpi eq, %get3A_130, %eq3A_137 : vector<16xi32>
      %jit3A_139 = arith.constant 0.000000e+00 : f32
      %broadcast_in_dim3A_140 = vector.broadcast %jit3A_139 : f32 to vector<16xf32>
      %select_n3A_141 = arith.select %eq3A_138, %get3A_135, %broadcast_in_dim3A_140 : vector<16xi1>, vector<16xf32>
      %add3A_142 = arith.addf %broadcast_in_dim3A_125, %select_n3A_141 : vector<16xf32>
      %get3A_143 = arith.constant 1 : i32
      %get3A_144 = arith.index_cast %get3A_143 : i32 to index
      %get3A_145 = arith.constant 16 : index
      %get3A_146 = tpu.vector_load %arg5[%get3A_144, %get3A_145] {strides = array<i32>} : memref<2x32xi32, #tpu.memory_space<vmem>>, vector<1x16xi32>,
      %get3A_147 = vector.shape_cast %get3A_146 : vector<1x16xi32> to vector<16xi32>
      %get3A_148 = arith.constant 1 : i32
      %get3A_149 = arith.index_cast %get3A_148 : i32 to index
      %get3A_150 = arith.constant 16 : index
      %get3A_151 = tpu.vector_load %arg6[%get3A_149, %get3A_150] {strides = array<i32>} : memref<2x32xf32, #tpu.memory_space<vmem>>, vector<1x16xf32>,
      %get3A_152 = vector.shape_cast %get3A_151 : vector<1x16xf32> to vector<16xf32>
      %eq3A_153 = arith.constant 1 : i32
      %eq3A_154 = vector.broadcast %eq3A_153 : i32 to vector<16xi32>
      %eq3A_155 = arith.cmpi eq, %get3A_147, %eq3A_154 : vector<16xi32>
      %jit3A_156 = arith.constant 0.000000e+00 : f32
      %broadcast_in_dim3A_157 = vector.broadcast %jit3A_156 : f32 to vector<16xf32>
      %select_n3A_158 = arith.select %eq3A_155, %get3A_152, %broadcast_in_dim3A_157 : vector<16xi1>, vector<16xf32>
      %add3A_159 = arith.addf %add3A_142, %select_n3A_158 : vector<16xf32>
      %swap3A_160 = arith.constant 1 : i32
      %swap3A_161 = arith.index_cast %swap3A_160 : i32 to index
      %swap3A_162 = arith.constant 16 : index
      %swap3A_163 = tpu.vector_load %arg7[%swap3A_161, %swap3A_162] {strides = array<i32>} : memref<8x32xf32, #tpu.memory_space<vmem>>, vector<1x16xf32>,
      %swap3A_164 = vector.shape_cast %swap3A_163 : vector<1x16xf32> to vector<16xf32>
      %swap3A_165 = vector.shape_cast %add3A_159 : vector<16xf32> to vector<1x16xf32>
      tpu.vector_store %arg7[%swap3A_161, %swap3A_162], %swap3A_165 {strides = array<i32>} : memref<8x32xf32, #tpu.memory_space<vmem>>, vector<1x16xf32>,
      %broadcast_in_dim3A_166 = arith.constant 0.000000e+00 : f32
      %broadcast_in_dim3A_167 = vector.broadcast %broadcast_in_dim3A_166 : f32 to vector<16xf32>
      %get3A_168 = arith.constant 0 : i32
      %get3A_169 = arith.index_cast %get3A_168 : i32 to index
      %get3A_170 = arith.constant 0 : index
      %get3A_171 = tpu.vector_load %arg5[%get3A_169, %get3A_170] {strides = array<i32>} : memref<2x32xi32, #tpu.memory_space<vmem>>, vector<1x16xi32>,
      %get3A_172 = vector.shape_cast %get3A_171 : vector<1x16xi32> to vector<16xi32>
      %get3A_173 = arith.constant 0 : i32
      %get3A_174 = arith.index_cast %get3A_173 : i32 to index
      %get3A_175 = arith.constant 0 : index
      %get3A_176 = tpu.vector_load %arg6[%get3A_174, %get3A_175] {strides = array<i32>} : memref<2x32xf32, #tpu.memory_space<vmem>>, vector<1x16xf32>,
      %get3A_177 = vector.shape_cast %get3A_176 : vector<1x16xf32> to vector<16xf32>
      %eq3A_178 = arith.constant 2 : i32
      %eq3A_179 = vector.broadcast %eq3A_178 : i32 to vector<16xi32>
      %eq3A_180 = arith.cmpi eq, %get3A_172, %eq3A_179 : vector<16xi32>
      %jit3A_181 = arith.constant 0.000000e+00 : f32
      %broadcast_in_dim3A_182 = vector.broadcast %jit3A_181 : f32 to vector<16xf32>
      %select_n3A_183 = arith.select %eq3A_180, %get3A_177, %broadcast_in_dim3A_182 : vector<16xi1>, vector<16xf32>
      %add3A_184 = arith.addf %broadcast_in_dim3A_167, %select_n3A_183 : vector<16xf32>
      %get3A_185 = arith.constant 1 : i32
      %get3A_186 = arith.index_cast %get3A_185 : i32 to index
      %get3A_187 = arith.constant 0 : index
      %get3A_188 = tpu.vector_load %arg5[%get3A_186, %get3A_187] {strides = array<i32>} : memref<2x32xi32, #tpu.memory_space<vmem>>, vector<1x16xi32>,
      %get3A_189 = vector.shape_cast %get3A_188 : vector<1x16xi32> to vector<16xi32>
      %get3A_190 = arith.constant 1 : i32
      %get3A_191 = arith.index_cast %get3A_190 : i32 to index
      %get3A_192 = arith.constant 0 : index
      %get3A_193 = tpu.vector_load %arg6[%get3A_191, %get3A_192] {strides = array<i32>} : memref<2x32xf32, #tpu.memory_space<vmem>>, vector<1x16xf32>,
      %get3A_194 = vector.shape_cast %get3A_193 : vector<1x16xf32> to vector<16xf32>
      %eq3A_195 = arith.constant 2 : i32
      %eq3A_196 = vector.broadcast %eq3A_195 : i32 to vector<16xi32>
      %eq3A_197 = arith.cmpi eq, %get3A_189, %eq3A_196 : vector<16xi32>
      %jit3A_198 = arith.constant 0.000000e+00 : f32
      %broadcast_in_dim3A_199 = vector.broadcast %jit3A_198 : f32 to vector<16xf32>
      %select_n3A_200 = arith.select %eq3A_197, %get3A_194, %broadcast_in_dim3A_199 : vector<16xi1>, vector<16xf32>
      %add3A_201 = arith.addf %add3A_184, %select_n3A_200 : vector<16xf32>
      %swap3A_202 = arith.constant 2 : i32
      %swap3A_203 = arith.index_cast %swap3A_202 : i32 to index
      %swap3A_204 = arith.constant 0 : index
      %swap3A_205 = tpu.vector_load %arg7[%swap3A_203, %swap3A_204] {strides = array<i32>} : memref<8x32xf32, #tpu.memory_space<vmem>>, vector<1x16xf32>,
      %swap3A_206 = vector.shape_cast %swap3A_205 : vector<1x16xf32> to vector<16xf32>
      %swap3A_207 = vector.shape_cast %add3A_201 : vector<16xf32> to vector<1x16xf32>
      tpu.vector_store %arg7[%swap3A_203, %swap3A_204], %swap3A_207 {strides = array<i32>} : memref<8x32xf32, #tpu.memory_space<vmem>>, vector<1x16xf32>,
      %broadcast_in_dim3A_208 = arith.constant 0.000000e+00 : f32
      %broadcast_in_dim3A_209 = vector.broadcast %broadcast_in_dim3A_208 : f32 to vector<16xf32>
      %get3A_210 = arith.constant 0 : i32
      %get3A_211 = arith.index_cast %get3A_210 : i32 to index
      %get3A_212 = arith.constant 16 : index
      %get3A_213 = tpu.vector_load %arg5[%get3A_211, %get3A_212] {strides = array<i32>} : memref<2x32xi32, #tpu.memory_space<vmem>>, vector<1x16xi32>,
      %get3A_214 = vector.shape_cast %get3A_213 : vector<1x16xi32> to vector<16xi32>
      %get3A_215 = arith.constant 0 : i32
      %get3A_216 = arith.index_cast %get3A_215 : i32 to index
      %get3A_217 = arith.constant 16 : index
      %get3A_218 = tpu.vector_load %arg6[%get3A_216, %get3A_217] {strides = array<i32>} : memref<2x32xf32, #tpu.memory_space<vmem>>, vector<1x16xf32>,
      %get3A_219 = vector.shape_cast %get3A_218 : vector<1x16xf32> to vector<16xf32>
      %eq3A_220 = arith.constant 2 : i32
      %eq3A_221 = vector.broadcast %eq3A_220 : i32 to vector<16xi32>
      %eq3A_222 = arith.cmpi eq, %get3A_214, %eq3A_221 : vector<16xi32>
      %jit3A_223 = arith.constant 0.000000e+00 : f32
      %broadcast_in_dim3A_224 = vector.broadcast %jit3A_223 : f32 to vector<16xf32>
      %select_n3A_225 = arith.select %eq3A_222, %get3A_219, %broadcast_in_dim3A_224 : vector<16xi1>, vector<16xf32>
      %add3A_226 = arith.addf %broadcast_in_dim3A_209, %select_n3A_225 : vector<16xf32>
      %get3A_227 = arith.constant 1 : i32
      %get3A_228 = arith.index_cast %get3A_227 : i32 to index
      %get3A_229 = arith.constant 16 : index
      %get3A_230 = tpu.vector_load %arg5[%get3A_228, %get3A_229] {strides = array<i32>} : memref<2x32xi32, #tpu.memory_space<vmem>>, vector<1x16xi32>,
      %get3A_231 = vector.shape_cast %get3A_230 : vector<1x16xi32> to vector<16xi32>
      %get3A_232 = arith.constant 1 : i32
      %get3A_233 = arith.index_cast %get3A_232 : i32 to index
      %get3A_234 = arith.constant 16 : index
      %get3A_235 = tpu.vector_load %arg6[%get3A_233, %get3A_234] {strides = array<i32>} : memref<2x32xf32, #tpu.memory_space<vmem>>, vector<1x16xf32>,
      %get3A_236 = vector.shape_cast %get3A_235 : vector<1x16xf32> to vector<16xf32>
      %eq3A_237 = arith.constant 2 : i32
      %eq3A_238 = vector.broadcast %eq3A_237 : i32 to vector<16xi32>
      %eq3A_239 = arith.cmpi eq, %get3A_231, %eq3A_238 : vector<16xi32>
      %jit3A_240 = arith.constant 0.000000e+00 : f32
      %broadcast_in_dim3A_241 = vector.broadcast %jit3A_240 : f32 to vector<16xf32>
      %select_n3A_242 = arith.select %eq3A_239, %get3A_236, %broadcast_in_dim3A_241 : vector<16xi1>, vector<16xf32>
      %add3A_243 = arith.addf %add3A_226, %select_n3A_242 : vector<16xf32>
      %swap3A_244 = arith.constant 2 : i32
      %swap3A_245 = arith.index_cast %swap3A_244 : i32 to index
      %swap3A_246 = arith.constant 16 : index
      %swap3A_247 = tpu.vector_load %arg7[%swap3A_245, %swap3A_246] {strides = array<i32>} : memref<8x32xf32, #tpu.memory_space<vmem>>, vector<1x16xf32>,
      %swap3A_248 = vector.shape_cast %swap3A_247 : vector<1x16xf32> to vector<16xf32>
      %swap3A_249 = vector.shape_cast %add3A_243 : vector<16xf32> to vector<1x16xf32>
      tpu.vector_store %arg7[%swap3A_245, %swap3A_246], %swap3A_249 {strides = array<i32>} : memref<8x32xf32, #tpu.memory_space<vmem>>, vector<1x16xf32>,
      %broadcast_in_dim3A_250 = arith.constant 0.000000e+00 : f32
      %broadcast_in_dim3A_251 = vector.broadcast %broadcast_in_dim3A_250 : f32 to vector<16xf32>
      %get3A_252 = arith.constant 0 : i32
      %get3A_253 = arith.index_cast %get3A_252 : i32 to index
      %get3A_254 = arith.constant 0 : index
      %get3A_255 = tpu.vector_load %arg5[%get3A_253, %get3A_254] {strides = array<i32>} : memref<2x32xi32, #tpu.memory_space<vmem>>, vector<1x16xi32>,
      %get3A_256 = vector.shape_cast %get3A_255 : vector<1x16xi32> to vector<16xi32>
      %get3A_257 = arith.constant 0 : i32
      %get3A_258 = arith.index_cast %get3A_257 : i32 to index
      %get3A_259 = arith.constant 0 : index
      %get3A_260 = tpu.vector_load %arg6[%get3A_258, %get3A_259] {strides = array<i32>} : memref<2x32xf32, #tpu.memory_space<vmem>>, vector<1x16xf32>,
      %get3A_261 = vector.shape_cast %get3A_260 : vector<1x16xf32> to vector<16xf32>
      %eq3A_262 = arith.constant 3 : i32
      %eq3A_263 = vector.broadcast %eq3A_262 : i32 to vector<16xi32>
      %eq3A_264 = arith.cmpi eq, %get3A_256, %eq3A_263 : vector<16xi32>
      %jit3A_265 = arith.constant 0.000000e+00 : f32
      %broadcast_in_dim3A_266 = vector.broadcast %jit3A_265 : f32 to vector<16xf32>
      %select_n3A_267 = arith.select %eq3A_264, %get3A_261, %broadcast_in_dim3A_266 : vector<16xi1>, vector<16xf32>
      %add3A_268 = arith.addf %broadcast_in_dim3A_251, %select_n3A_267 : vector<16xf32>
      %get3A_269 = arith.constant 1 : i32
      %get3A_270 = arith.index_cast %get3A_269 : i32 to index
      %get3A_271 = arith.constant 0 : index
      %get3A_272 = tpu.vector_load %arg5[%get3A_270, %get3A_271] {strides = array<i32>} : memref<2x32xi32, #tpu.memory_space<vmem>>, vector<1x16xi32>,
      %get3A_273 = vector.shape_cast %get3A_272 : vector<1x16xi32> to vector<16xi32>
      %get3A_274 = arith.constant 1 : i32
      %get3A_275 = arith.index_cast %get3A_274 : i32 to index
      %get3A_276 = arith.constant 0 : index
      %get3A_277 = tpu.vector_load %arg6[%get3A_275, %get3A_276] {strides = array<i32>} : memref<2x32xf32, #tpu.memory_space<vmem>>, vector<1x16xf32>,
      %get3A_278 = vector.shape_cast %get3A_277 : vector<1x16xf32> to vector<16xf32>
      %eq3A_279 = arith.constant 3 : i32
      %eq3A_280 = vector.broadcast %eq3A_279 : i32 to vector<16xi32>
      %eq3A_281 = arith.cmpi eq, %get3A_273, %eq3A_280 : vector<16xi32>
      %jit3A_282 = arith.constant 0.000000e+00 : f32
      %broadcast_in_dim3A_283 = vector.broadcast %jit3A_282 : f32 to vector<16xf32>
      %select_n3A_284 = arith.select %eq3A_281, %get3A_278, %broadcast_in_dim3A_283 : vector<16xi1>, vector<16xf32>
      %add3A_285 = arith.addf %add3A_268, %select_n3A_284 : vector<16xf32>
      %swap3A_286 = arith.constant 3 : i32
      %swap3A_287 = arith.index_cast %swap3A_286 : i32 to index
      %swap3A_288 = arith.constant 0 : index
      %swap3A_289 = tpu.vector_load %arg7[%swap3A_287, %swap3A_288] {strides = array<i32>} : memref<8x32xf32, #tpu.memory_space<vmem>>, vector<1x16xf32>,
      %swap3A_290 = vector.shape_cast %swap3A_289 : vector<1x16xf32> to vector<16xf32>
      %swap3A_291 = vector.shape_cast %add3A_285 : vector<16xf32> to vector<1x16xf32>
      tpu.vector_store %arg7[%swap3A_287, %swap3A_288], %swap3A_291 {strides = array<i32>} : memref<8x32xf32, #tpu.memory_space<vmem>>, vector<1x16xf32>,
      %broadcast_in_dim3A_292 = arith.constant 0.000000e+00 : f32
      %broadcast_in_dim3A_293 = vector.broadcast %broadcast_in_dim3A_292 : f32 to vector<16xf32>
      %get3A_294 = arith.constant 0 : i32
      %get3A_295 = arith.index_cast %get3A_294 : i32 to index
      %get3A_296 = arith.constant 16 : index
      %get3A_297 = tpu.vector_load %arg5[%get3A_295, %get3A_296] {strides = array<i32>} : memref<2x32xi32, #tpu.memory_space<vmem>>, vector<1x16xi32>,
      %get3A_298 = vector.shape_cast %get3A_297 : vector<1x16xi32> to vector<16xi32>
      %get3A_299 = arith.constant 0 : i32
      %get3A_300 = arith.index_cast %get3A_299 : i32 to index
      %get3A_301 = arith.constant 16 : index
      %get3A_302 = tpu.vector_load %arg6[%get3A_300, %get3A_301] {strides = array<i32>} : memref<2x32xf32, #tpu.memory_space<vmem>>, vector<1x16xf32>,
      %get3A_303 = vector.shape_cast %get3A_302 : vector<1x16xf32> to vector<16xf32>
      %eq3A_304 = arith.constant 3 : i32
      %eq3A_305 = vector.broadcast %eq3A_304 : i32 to vector<16xi32>
      %eq3A_306 = arith.cmpi eq, %get3A_298, %eq3A_305 : vector<16xi32>
      %jit3A_307 = arith.constant 0.000000e+00 : f32
      %broadcast_in_dim3A_308 = vector.broadcast %jit3A_307 : f32 to vector<16xf32>
      %select_n3A_309 = arith.select %eq3A_306, %get3A_303, %broadcast_in_dim3A_308 : vector<16xi1>, vector<16xf32>
      %add3A_310 = arith.addf %broadcast_in_dim3A_293, %select_n3A_309 : vector<16xf32>
      %get3A_311 = arith.constant 1 : i32
      %get3A_312 = arith.index_cast %get3A_311 : i32 to index
      %get3A_313 = arith.constant 16 : index
      %get3A_314 = tpu.vector_load %arg5[%get3A_312, %get3A_313] {strides = array<i32>} : memref<2x32xi32, #tpu.memory_space<vmem>>, vector<1x16xi32>,
      %get3A_315 = vector.shape_cast %get3A_314 : vector<1x16xi32> to vector<16xi32>
      %get3A_316 = arith.constant 1 : i32
      %get3A_317 = arith.index_cast %get3A_316 : i32 to index
      %get3A_318 = arith.constant 16 : index
      %get3A_319 = tpu.vector_load %arg6[%get3A_317, %get3A_318] {strides = array<i32>} : memref<2x32xf32, #tpu.memory_space<vmem>>, vector<1x16xf32>,
      %get3A_320 = vector.shape_cast %get3A_319 : vector<1x16xf32> to vector<16xf32>
      %eq3A_321 = arith.constant 3 : i32
      %eq3A_322 = vector.broadcast %eq3A_321 : i32 to vector<16xi32>
      %eq3A_323 = arith.cmpi eq, %get3A_315, %eq3A_322 : vector<16xi32>
      %jit3A_324 = arith.constant 0.000000e+00 : f32
      %broadcast_in_dim3A_325 = vector.broadcast %jit3A_324 : f32 to vector<16xf32>
      %select_n3A_326 = arith.select %eq3A_323, %get3A_320, %broadcast_in_dim3A_325 : vector<16xi1>, vector<16xf32>
      %add3A_327 = arith.addf %add3A_310, %select_n3A_326 : vector<16xf32>
      %swap3A_328 = arith.constant 3 : i32
      %swap3A_329 = arith.index_cast %swap3A_328 : i32 to index
      %swap3A_330 = arith.constant 16 : index
      %swap3A_331 = tpu.vector_load %arg7[%swap3A_329, %swap3A_330] {strides = array<i32>} : memref<8x32xf32, #tpu.memory_space<vmem>>, vector<1x16xf32>,
      %swap3A_332 = vector.shape_cast %swap3A_331 : vector<1x16xf32> to vector<16xf32>
      %swap3A_333 = vector.shape_cast %add3A_327 : vector<16xf32> to vector<1x16xf32>
      tpu.vector_store %arg7[%swap3A_329, %swap3A_330], %swap3A_333 {strides = array<i32>} : memref<8x32xf32, #tpu.memory_space<vmem>>, vector<1x16xf32>,
      %broadcast_in_dim3A_334 = arith.constant 0.000000e+00 : f32
      %broadcast_in_dim3A_335 = vector.broadcast %broadcast_in_dim3A_334 : f32 to vector<16xf32>
      %get3A_336 = arith.constant 0 : i32
      %get3A_337 = arith.index_cast %get3A_336 : i32 to index
      %get3A_338 = arith.constant 0 : index
      %get3A_339 = tpu.vector_load %arg5[%get3A_337, %get3A_338] {strides = array<i32>} : memref<2x32xi32, #tpu.memory_space<vmem>>, vector<1x16xi32>,
      %get3A_340 = vector.shape_cast %get3A_339 : vector<1x16xi32> to vector<16xi32>
      %get3A_341 = arith.constant 0 : i32
      %get3A_342 = arith.index_cast %get3A_341 : i32 to index
      %get3A_343 = arith.constant 0 : index
      %get3A_344 = tpu.vector_load %arg6[%get3A_342, %get3A_343] {strides = array<i32>} : memref<2x32xf32, #tpu.memory_space<vmem>>, vector<1x16xf32>,
      %get3A_345 = vector.shape_cast %get3A_344 : vector<1x16xf32> to vector<16xf32>
      %eq3A_346 = arith.constant 4 : i32
      %eq3A_347 = vector.broadcast %eq3A_346 : i32 to vector<16xi32>
      %eq3A_348 = arith.cmpi eq, %get3A_340, %eq3A_347 : vector<16xi32>
      %jit3A_349 = arith.constant 0.000000e+00 : f32
      %broadcast_in_dim3A_350 = vector.broadcast %jit3A_349 : f32 to vector<16xf32>
      %select_n3A_351 = arith.select %eq3A_348, %get3A_345, %broadcast_in_dim3A_350 : vector<16xi1>, vector<16xf32>
      %add3A_352 = arith.addf %broadcast_in_dim3A_335, %select_n3A_351 : vector<16xf32>
      %get3A_353 = arith.constant 1 : i32
      %get3A_354 = arith.index_cast %get3A_353 : i32 to index
      %get3A_355 = arith.constant 0 : index
      %get3A_356 = tpu.vector_load %arg5[%get3A_354, %get3A_355] {strides = array<i32>} : memref<2x32xi32, #tpu.memory_space<vmem>>, vector<1x16xi32>,
      %get3A_357 = vector.shape_cast %get3A_356 : vector<1x16xi32> to vector<16xi32>
      %get3A_358 = arith.constant 1 : i32
      %get3A_359 = arith.index_cast %get3A_358 : i32 to index
      %get3A_360 = arith.constant 0 : index
      %get3A_361 = tpu.vector_load %arg6[%get3A_359, %get3A_360] {strides = array<i32>} : memref<2x32xf32, #tpu.memory_space<vmem>>, vector<1x16xf32>,
      %get3A_362 = vector.shape_cast %get3A_361 : vector<1x16xf32> to vector<16xf32>
      %eq3A_363 = arith.constant 4 : i32
      %eq3A_364 = vector.broadcast %eq3A_363 : i32 to vector<16xi32>
      %eq3A_365 = arith.cmpi eq, %get3A_357, %eq3A_364 : vector<16xi32>
      %jit3A_366 = arith.constant 0.000000e+00 : f32
      %broadcast_in_dim3A_367 = vector.broadcast %jit3A_366 : f32 to vector<16xf32>
      %select_n3A_368 = arith.select %eq3A_365, %get3A_362, %broadcast_in_dim3A_367 : vector<16xi1>, vector<16xf32>
      %add3A_369 = arith.addf %add3A_352, %select_n3A_368 : vector<16xf32>
      %swap3A_370 = arith.constant 4 : i32
      %swap3A_371 = arith.index_cast %swap3A_370 : i32 to index
      %swap3A_372 = arith.constant 0 : index
      %swap3A_373 = tpu.vector_load %arg7[%swap3A_371, %swap3A_372] {strides = array<i32>} : memref<8x32xf32, #tpu.memory_space<vmem>>, vector<1x16xf32>,
      %swap3A_374 = vector.shape_cast %swap3A_373 : vector<1x16xf32> to vector<16xf32>
      %swap3A_375 = vector.shape_cast %add3A_369 : vector<16xf32> to vector<1x16xf32>
      tpu.vector_store %arg7[%swap3A_371, %swap3A_372], %swap3A_375 {strides = array<i32>} : memref<8x32xf32, #tpu.memory_space<vmem>>, vector<1x16xf32>,
      %broadcast_in_dim3A_376 = arith.constant 0.000000e+00 : f32
      %broadcast_in_dim3A_377 = vector.broadcast %broadcast_in_dim3A_376 : f32 to vector<16xf32>
      %get3A_378 = arith.constant 0 : i32
      %get3A_379 = arith.index_cast %get3A_378 : i32 to index
      %get3A_380 = arith.constant 16 : index
      %get3A_381 = tpu.vector_load %arg5[%get3A_379, %get3A_380] {strides = array<i32>} : memref<2x32xi32, #tpu.memory_space<vmem>>, vector<1x16xi32>,
      %get3A_382 = vector.shape_cast %get3A_381 : vector<1x16xi32> to vector<16xi32>
      %get3A_383 = arith.constant 0 : i32
      %get3A_384 = arith.index_cast %get3A_383 : i32 to index
      %get3A_385 = arith.constant 16 : index
      %get3A_386 = tpu.vector_load %arg6[%get3A_384, %get3A_385] {strides = array<i32>} : memref<2x32xf32, #tpu.memory_space<vmem>>, vector<1x16xf32>,
      %get3A_387 = vector.shape_cast %get3A_386 : vector<1x16xf32> to vector<16xf32>
      %eq3A_388 = arith.constant 4 : i32
      %eq3A_389 = vector.broadcast %eq3A_388 : i32 to vector<16xi32>
      %eq3A_390 = arith.cmpi eq, %get3A_382, %eq3A_389 : vector<16xi32>
      %jit3A_391 = arith.constant 0.000000e+00 : f32
      %broadcast_in_dim3A_392 = vector.broadcast %jit3A_391 : f32 to vector<16xf32>
      %select_n3A_393 = arith.select %eq3A_390, %get3A_387, %broadcast_in_dim3A_392 : vector<16xi1>, vector<16xf32>
      %add3A_394 = arith.addf %broadcast_in_dim3A_377, %select_n3A_393 : vector<16xf32>
      %get3A_395 = arith.constant 1 : i32
      %get3A_396 = arith.index_cast %get3A_395 : i32 to index
      %get3A_397 = arith.constant 16 : index
      %get3A_398 = tpu.vector_load %arg5[%get3A_396, %get3A_397] {strides = array<i32>} : memref<2x32xi32, #tpu.memory_space<vmem>>, vector<1x16xi32>,
      %get3A_399 = vector.shape_cast %get3A_398 : vector<1x16xi32> to vector<16xi32>
      %get3A_400 = arith.constant 1 : i32
      %get3A_401 = arith.index_cast %get3A_400 : i32 to index
      %get3A_402 = arith.constant 16 : index
      %get3A_403 = tpu.vector_load %arg6[%get3A_401, %get3A_402] {strides = array<i32>} : memref<2x32xf32, #tpu.memory_space<vmem>>, vector<1x16xf32>,
      %get3A_404 = vector.shape_cast %get3A_403 : vector<1x16xf32> to vector<16xf32>
      %eq3A_405 = arith.constant 4 : i32
      %eq3A_406 = vector.broadcast %eq3A_405 : i32 to vector<16xi32>
      %eq3A_407 = arith.cmpi eq, %get3A_399, %eq3A_406 : vector<16xi32>
      %jit3A_408 = arith.constant 0.000000e+00 : f32
      %broadcast_in_dim3A_409 = vector.broadcast %jit3A_408 : f32 to vector<16xf32>
      %select_n3A_410 = arith.select %eq3A_407, %get3A_404, %broadcast_in_dim3A_409 : vector<16xi1>, vector<16xf32>
      %add3A_411 = arith.addf %add3A_394, %select_n3A_410 : vector<16xf32>
      %swap3A_412 = arith.constant 4 : i32
      %swap3A_413 = arith.index_cast %swap3A_412 : i32 to index
      %swap3A_414 = arith.constant 16 : index
      %swap3A_415 = tpu.vector_load %arg7[%swap3A_413, %swap3A_414] {strides = array<i32>} : memref<8x32xf32, #tpu.memory_space<vmem>>, vector<1x16xf32>,
      %swap3A_416 = vector.shape_cast %swap3A_415 : vector<1x16xf32> to vector<16xf32>
      %swap3A_417 = vector.shape_cast %add3A_411 : vector<16xf32> to vector<1x16xf32>
      tpu.vector_store %arg7[%swap3A_413, %swap3A_414], %swap3A_417 {strides = array<i32>} : memref<8x32xf32, #tpu.memory_space<vmem>>, vector<1x16xf32>,
      %broadcast_in_dim3A_418 = arith.constant 0.000000e+00 : f32
      %broadcast_in_dim3A_419 = vector.broadcast %broadcast_in_dim3A_418 : f32 to vector<16xf32>
      %get3A_420 = arith.constant 0 : i32
      %get3A_421 = arith.index_cast %get3A_420 : i32 to index
      %get3A_422 = arith.constant 0 : index
      %get3A_423 = tpu.vector_load %arg5[%get3A_421, %get3A_422] {strides = array<i32>} : memref<2x32xi32, #tpu.memory_space<vmem>>, vector<1x16xi32>,
      %get3A_424 = vector.shape_cast %get3A_423 : vector<1x16xi32> to vector<16xi32>
      %get3A_425 = arith.constant 0 : i32
      %get3A_426 = arith.index_cast %get3A_425 : i32 to index
      %get3A_427 = arith.constant 0 : index
      %get3A_428 = tpu.vector_load %arg6[%get3A_426, %get3A_427] {strides = array<i32>} : memref<2x32xf32, #tpu.memory_space<vmem>>, vector<1x16xf32>,
      %get3A_429 = vector.shape_cast %get3A_428 : vector<1x16xf32> to vector<16xf32>
      %eq3A_430 = arith.constant 5 : i32
      %eq3A_431 = vector.broadcast %eq3A_430 : i32 to vector<16xi32>
      %eq3A_432 = arith.cmpi eq, %get3A_424, %eq3A_431 : vector<16xi32>
      %jit3A_433 = arith.constant 0.000000e+00 : f32
      %broadcast_in_dim3A_434 = vector.broadcast %jit3A_433 : f32 to vector<16xf32>
      %select_n3A_435 = arith.select %eq3A_432, %get3A_429, %broadcast_in_dim3A_434 : vector<16xi1>, vector<16xf32>
      %add3A_436 = arith.addf %broadcast_in_dim3A_419, %select_n3A_435 : vector<16xf32>
      %get3A_437 = arith.constant 1 : i32
      %get3A_438 = arith.index_cast %get3A_437 : i32 to index
      %get3A_439 = arith.constant 0 : index
      %get3A_440 = tpu.vector_load %arg5[%get3A_438, %get3A_439] {strides = array<i32>} : memref<2x32xi32, #tpu.memory_space<vmem>>, vector<1x16xi32>,
      %get3A_441 = vector.shape_cast %get3A_440 : vector<1x16xi32> to vector<16xi32>
      %get3A_442 = arith.constant 1 : i32
      %get3A_443 = arith.index_cast %get3A_442 : i32 to index
      %get3A_444 = arith.constant 0 : index
      %get3A_445 = tpu.vector_load %arg6[%get3A_443, %get3A_444] {strides = array<i32>} : memref<2x32xf32, #tpu.memory_space<vmem>>, vector<1x16xf32>,
      %get3A_446 = vector.shape_cast %get3A_445 : vector<1x16xf32> to vector<16xf32>
      %eq3A_447 = arith.constant 5 : i32
      %eq3A_448 = vector.broadcast %eq3A_447 : i32 to vector<16xi32>
      %eq3A_449 = arith.cmpi eq, %get3A_441, %eq3A_448 : vector<16xi32>
      %jit3A_450 = arith.constant 0.000000e+00 : f32
      %broadcast_in_dim3A_451 = vector.broadcast %jit3A_450 : f32 to vector<16xf32>
      %select_n3A_452 = arith.select %eq3A_449, %get3A_446, %broadcast_in_dim3A_451 : vector<16xi1>, vector<16xf32>
      %add3A_453 = arith.addf %add3A_436, %select_n3A_452 : vector<16xf32>
      %swap3A_454 = arith.constant 5 : i32
      %swap3A_455 = arith.index_cast %swap3A_454 : i32 to index
      %swap3A_456 = arith.constant 0 : index
      %swap3A_457 = tpu.vector_load %arg7[%swap3A_455, %swap3A_456] {strides = array<i32>} : memref<8x32xf32, #tpu.memory_space<vmem>>, vector<1x16xf32>,
      %swap3A_458 = vector.shape_cast %swap3A_457 : vector<1x16xf32> to vector<16xf32>
      %swap3A_459 = vector.shape_cast %add3A_453 : vector<16xf32> to vector<1x16xf32>
      tpu.vector_store %arg7[%swap3A_455, %swap3A_456], %swap3A_459 {strides = array<i32>} : memref<8x32xf32, #tpu.memory_space<vmem>>, vector<1x16xf32>,
      %broadcast_in_dim3A_460 = arith.constant 0.000000e+00 : f32
      %broadcast_in_dim3A_461 = vector.broadcast %broadcast_in_dim3A_460 : f32 to vector<16xf32>
      %get3A_462 = arith.constant 0 : i32
      %get3A_463 = arith.index_cast %get3A_462 : i32 to index
      %get3A_464 = arith.constant 16 : index
      %get3A_465 = tpu.vector_load %arg5[%get3A_463, %get3A_464] {strides = array<i32>} : memref<2x32xi32, #tpu.memory_space<vmem>>, vector<1x16xi32>,
      %get3A_466 = vector.shape_cast %get3A_465 : vector<1x16xi32> to vector<16xi32>
      %get3A_467 = arith.constant 0 : i32
      %get3A_468 = arith.index_cast %get3A_467 : i32 to index
      %get3A_469 = arith.constant 16 : index
      %get3A_470 = tpu.vector_load %arg6[%get3A_468, %get3A_469] {strides = array<i32>} : memref<2x32xf32, #tpu.memory_space<vmem>>, vector<1x16xf32>,
      %get3A_471 = vector.shape_cast %get3A_470 : vector<1x16xf32> to vector<16xf32>
      %eq3A_472 = arith.constant 5 : i32
      %eq3A_473 = vector.broadcast %eq3A_472 : i32 to vector<16xi32>
      %eq3A_474 = arith.cmpi eq, %get3A_466, %eq3A_473 : vector<16xi32>
      %jit3A_475 = arith.constant 0.000000e+00 : f32
      %broadcast_in_dim3A_476 = vector.broadcast %jit3A_475 : f32 to vector<16xf32>
      %select_n3A_477 = arith.select %eq3A_474, %get3A_471, %broadcast_in_dim3A_476 : vector<16xi1>, vector<16xf32>
      %add3A_478 = arith.addf %broadcast_in_dim3A_461, %select_n3A_477 : vector<16xf32>
      %get3A_479 = arith.constant 1 : i32
      %get3A_480 = arith.index_cast %get3A_479 : i32 to index
      %get3A_481 = arith.constant 16 : index
      %get3A_482 = tpu.vector_load %arg5[%get3A_480, %get3A_481] {strides = array<i32>} : memref<2x32xi32, #tpu.memory_space<vmem>>, vector<1x16xi32>,
      %get3A_483 = vector.shape_cast %get3A_482 : vector<1x16xi32> to vector<16xi32>
      %get3A_484 = arith.constant 1 : i32
      %get3A_485 = arith.index_cast %get3A_484 : i32 to index
      %get3A_486 = arith.constant 16 : index
      %get3A_487 = tpu.vector_load %arg6[%get3A_485, %get3A_486] {strides = array<i32>} : memref<2x32xf32, #tpu.memory_space<vmem>>, vector<1x16xf32>,
      %get3A_488 = vector.shape_cast %get3A_487 : vector<1x16xf32> to vector<16xf32>
      %eq3A_489 = arith.constant 5 : i32
      %eq3A_490 = vector.broadcast %eq3A_489 : i32 to vector<16xi32>
      %eq3A_491 = arith.cmpi eq, %get3A_483, %eq3A_490 : vector<16xi32>
      %jit3A_492 = arith.constant 0.000000e+00 : f32
      %broadcast_in_dim3A_493 = vector.broadcast %jit3A_492 : f32 to vector<16xf32>
      %select_n3A_494 = arith.select %eq3A_491, %get3A_488, %broadcast_in_dim3A_493 : vector<16xi1>, vector<16xf32>
      %add3A_495 = arith.addf %add3A_478, %select_n3A_494 : vector<16xf32>
      %swap3A_496 = arith.constant 5 : i32
      %swap3A_497 = arith.index_cast %swap3A_496 : i32 to index
      %swap3A_498 = arith.constant 16 : index
      %swap3A_499 = tpu.vector_load %arg7[%swap3A_497, %swap3A_498] {strides = array<i32>} : memref<8x32xf32, #tpu.memory_space<vmem>>, vector<1x16xf32>,
      %swap3A_500 = vector.shape_cast %swap3A_499 : vector<1x16xf32> to vector<16xf32>
      %swap3A_501 = vector.shape_cast %add3A_495 : vector<16xf32> to vector<1x16xf32>
      tpu.vector_store %arg7[%swap3A_497, %swap3A_498], %swap3A_501 {strides = array<i32>} : memref<8x32xf32, #tpu.memory_space<vmem>>, vector<1x16xf32>,
      %broadcast_in_dim3A_502 = arith.constant 0.000000e+00 : f32
      %broadcast_in_dim3A_503 = vector.broadcast %broadcast_in_dim3A_502 : f32 to vector<16xf32>
      %get3A_504 = arith.constant 0 : i32
      %get3A_505 = arith.index_cast %get3A_504 : i32 to index
      %get3A_506 = arith.constant 0 : index
      %get3A_507 = tpu.vector_load %arg5[%get3A_505, %get3A_506] {strides = array<i32>} : memref<2x32xi32, #tpu.memory_space<vmem>>, vector<1x16xi32>,
      %get3A_508 = vector.shape_cast %get3A_507 : vector<1x16xi32> to vector<16xi32>
      %get3A_509 = arith.constant 0 : i32
      %get3A_510 = arith.index_cast %get3A_509 : i32 to index
      %get3A_511 = arith.constant 0 : index
      %get3A_512 = tpu.vector_load %arg6[%get3A_510, %get3A_511] {strides = array<i32>} : memref<2x32xf32, #tpu.memory_space<vmem>>, vector<1x16xf32>,
      %get3A_513 = vector.shape_cast %get3A_512 : vector<1x16xf32> to vector<16xf32>
      %eq3A_514 = arith.constant 6 : i32
      %eq3A_515 = vector.broadcast %eq3A_514 : i32 to vector<16xi32>
      %eq3A_516 = arith.cmpi eq, %get3A_508, %eq3A_515 : vector<16xi32>
      %jit3A_517 = arith.constant 0.000000e+00 : f32
      %broadcast_in_dim3A_518 = vector.broadcast %jit3A_517 : f32 to vector<16xf32>
      %select_n3A_519 = arith.select %eq3A_516, %get3A_513, %broadcast_in_dim3A_518 : vector<16xi1>, vector<16xf32>
      %add3A_520 = arith.addf %broadcast_in_dim3A_503, %select_n3A_519 : vector<16xf32>
      %get3A_521 = arith.constant 1 : i32
      %get3A_522 = arith.index_cast %get3A_521 : i32 to index
      %get3A_523 = arith.constant 0 : index
      %get3A_524 = tpu.vector_load %arg5[%get3A_522, %get3A_523] {strides = array<i32>} : memref<2x32xi32, #tpu.memory_space<vmem>>, vector<1x16xi32>,
      %get3A_525 = vector.shape_cast %get3A_524 : vector<1x16xi32> to vector<16xi32>
      %get3A_526 = arith.constant 1 : i32
      %get3A_527 = arith.index_cast %get3A_526 : i32 to index
      %get3A_528 = arith.constant 0 : index
      %get3A_529 = tpu.vector_load %arg6[%get3A_527, %get3A_528] {strides = array<i32>} : memref<2x32xf32, #tpu.memory_space<vmem>>, vector<1x16xf32>,
      %get3A_530 = vector.shape_cast %get3A_529 : vector<1x16xf32> to vector<16xf32>
      %eq3A_531 = arith.constant 6 : i32
      %eq3A_532 = vector.broadcast %eq3A_531 : i32 to vector<16xi32>
      %eq3A_533 = arith.cmpi eq, %get3A_525, %eq3A_532 : vector<16xi32>
      %jit3A_534 = arith.constant 0.000000e+00 : f32
      %broadcast_in_dim3A_535 = vector.broadcast %jit3A_534 : f32 to vector<16xf32>
      %select_n3A_536 = arith.select %eq3A_533, %get3A_530, %broadcast_in_dim3A_535 : vector<16xi1>, vector<16xf32>
      %add3A_537 = arith.addf %add3A_520, %select_n3A_536 : vector<16xf32>
      %swap3A_538 = arith.constant 6 : i32
      %swap3A_539 = arith.index_cast %swap3A_538 : i32 to index
      %swap3A_540 = arith.constant 0 : index
      %swap3A_541 = tpu.vector_load %arg7[%swap3A_539, %swap3A_540] {strides = array<i32>} : memref<8x32xf32, #tpu.memory_space<vmem>>, vector<1x16xf32>,
      %swap3A_542 = vector.shape_cast %swap3A_541 : vector<1x16xf32> to vector<16xf32>
      %swap3A_543 = vector.shape_cast %add3A_537 : vector<16xf32> to vector<1x16xf32>
      tpu.vector_store %arg7[%swap3A_539, %swap3A_540], %swap3A_543 {strides = array<i32>} : memref<8x32xf32, #tpu.memory_space<vmem>>, vector<1x16xf32>,
      %broadcast_in_dim3A_544 = arith.constant 0.000000e+00 : f32
      %broadcast_in_dim3A_545 = vector.broadcast %broadcast_in_dim3A_544 : f32 to vector<16xf32>
      %get3A_546 = arith.constant 0 : i32
      %get3A_547 = arith.index_cast %get3A_546 : i32 to index
      %get3A_548 = arith.constant 16 : index
      %get3A_549 = tpu.vector_load %arg5[%get3A_547, %get3A_548] {strides = array<i32>} : memref<2x32xi32, #tpu.memory_space<vmem>>, vector<1x16xi32>,
      %get3A_550 = vector.shape_cast %get3A_549 : vector<1x16xi32> to vector<16xi32>
      %get3A_551 = arith.constant 0 : i32
      %get3A_552 = arith.index_cast %get3A_551 : i32 to index
      %get3A_553 = arith.constant 16 : index
      %get3A_554 = tpu.vector_load %arg6[%get3A_552, %get3A_553] {strides = array<i32>} : memref<2x32xf32, #tpu.memory_space<vmem>>, vector<1x16xf32>,
      %get3A_555 = vector.shape_cast %get3A_554 : vector<1x16xf32> to vector<16xf32>
      %eq3A_556 = arith.constant 6 : i32
      %eq3A_557 = vector.broadcast %eq3A_556 : i32 to vector<16xi32>
      %eq3A_558 = arith.cmpi eq, %get3A_550, %eq3A_557 : vector<16xi32>
      %jit3A_559 = arith.constant 0.000000e+00 : f32
      %broadcast_in_dim3A_560 = vector.broadcast %jit3A_559 : f32 to vector<16xf32>
      %select_n3A_561 = arith.select %eq3A_558, %get3A_555, %broadcast_in_dim3A_560 : vector<16xi1>, vector<16xf32>
      %add3A_562 = arith.addf %broadcast_in_dim3A_545, %select_n3A_561 : vector<16xf32>
      %get3A_563 = arith.constant 1 : i32
      %get3A_564 = arith.index_cast %get3A_563 : i32 to index
      %get3A_565 = arith.constant 16 : index
      %get3A_566 = tpu.vector_load %arg5[%get3A_564, %get3A_565] {strides = array<i32>} : memref<2x32xi32, #tpu.memory_space<vmem>>, vector<1x16xi32>,
      %get3A_567 = vector.shape_cast %get3A_566 : vector<1x16xi32> to vector<16xi32>
      %get3A_568 = arith.constant 1 : i32
      %get3A_569 = arith.index_cast %get3A_568 : i32 to index
      %get3A_570 = arith.constant 16 : index
      %get3A_571 = tpu.vector_load %arg6[%get3A_569, %get3A_570] {strides = array<i32>} : memref<2x32xf32, #tpu.memory_space<vmem>>, vector<1x16xf32>,
      %get3A_572 = vector.shape_cast %get3A_571 : vector<1x16xf32> to vector<16xf32>
      %eq3A_573 = arith.constant 6 : i32
      %eq3A_574 = vector.broadcast %eq3A_573 : i32 to vector<16xi32>
      %eq3A_575 = arith.cmpi eq, %get3A_567, %eq3A_574 : vector<16xi32>
      %jit3A_576 = arith.constant 0.000000e+00 : f32
      %broadcast_in_dim3A_577 = vector.broadcast %jit3A_576 : f32 to vector<16xf32>
      %select_n3A_578 = arith.select %eq3A_575, %get3A_572, %broadcast_in_dim3A_577 : vector<16xi1>, vector<16xf32>
      %add3A_579 = arith.addf %add3A_562, %select_n3A_578 : vector<16xf32>
      %swap3A_580 = arith.constant 6 : i32
      %swap3A_581 = arith.index_cast %swap3A_580 : i32 to index
      %swap3A_582 = arith.constant 16 : index
      %swap3A_583 = tpu.vector_load %arg7[%swap3A_581, %swap3A_582] {strides = array<i32>} : memref<8x32xf32, #tpu.memory_space<vmem>>, vector<1x16xf32>,
      %swap3A_584 = vector.shape_cast %swap3A_583 : vector<1x16xf32> to vector<16xf32>
      %swap3A_585 = vector.shape_cast %add3A_579 : vector<16xf32> to vector<1x16xf32>
      tpu.vector_store %arg7[%swap3A_581, %swap3A_582], %swap3A_585 {strides = array<i32>} : memref<8x32xf32, #tpu.memory_space<vmem>>, vector<1x16xf32>,
      %broadcast_in_dim3A_586 = arith.constant 0.000000e+00 : f32
      %broadcast_in_dim3A_587 = vector.broadcast %broadcast_in_dim3A_586 : f32 to vector<16xf32>
      %get3A_588 = arith.constant 0 : i32
      %get3A_589 = arith.index_cast %get3A_588 : i32 to index
      %get3A_590 = arith.constant 0 : index
      %get3A_591 = tpu.vector_load %arg5[%get3A_589, %get3A_590] {strides = array<i32>} : memref<2x32xi32, #tpu.memory_space<vmem>>, vector<1x16xi32>,
      %get3A_592 = vector.shape_cast %get3A_591 : vector<1x16xi32> to vector<16xi32>
      %get3A_593 = arith.constant 0 : i32
      %get3A_594 = arith.index_cast %get3A_593 : i32 to index
      %get3A_595 = arith.constant 0 : index
      %get3A_596 = tpu.vector_load %arg6[%get3A_594, %get3A_595] {strides = array<i32>} : memref<2x32xf32, #tpu.memory_space<vmem>>, vector<1x16xf32>,
      %get3A_597 = vector.shape_cast %get3A_596 : vector<1x16xf32> to vector<16xf32>
      %eq3A_598 = arith.constant 7 : i32
      %eq3A_599 = vector.broadcast %eq3A_598 : i32 to vector<16xi32>
      %eq3A_600 = arith.cmpi eq, %get3A_592, %eq3A_599 : vector<16xi32>
      %jit3A_601 = arith.constant 0.000000e+00 : f32
      %broadcast_in_dim3A_602 = vector.broadcast %jit3A_601 : f32 to vector<16xf32>
      %select_n3A_603 = arith.select %eq3A_600, %get3A_597, %broadcast_in_dim3A_602 : vector<16xi1>, vector<16xf32>
      %add3A_604 = arith.addf %broadcast_in_dim3A_587, %select_n3A_603 : vector<16xf32>
      %get3A_605 = arith.constant 1 : i32
      %get3A_606 = arith.index_cast %get3A_605 : i32 to index
      %get3A_607 = arith.constant 0 : index
      %get3A_608 = tpu.vector_load %arg5[%get3A_606, %get3A_607] {strides = array<i32>} : memref<2x32xi32, #tpu.memory_space<vmem>>, vector<1x16xi32>,
      %get3A_609 = vector.shape_cast %get3A_608 : vector<1x16xi32> to vector<16xi32>
      %get3A_610 = arith.constant 1 : i32
      %get3A_611 = arith.index_cast %get3A_610 : i32 to index
      %get3A_612 = arith.constant 0 : index
      %get3A_613 = tpu.vector_load %arg6[%get3A_611, %get3A_612] {strides = array<i32>} : memref<2x32xf32, #tpu.memory_space<vmem>>, vector<1x16xf32>,
      %get3A_614 = vector.shape_cast %get3A_613 : vector<1x16xf32> to vector<16xf32>
      %eq3A_615 = arith.constant 7 : i32
      %eq3A_616 = vector.broadcast %eq3A_615 : i32 to vector<16xi32>
      %eq3A_617 = arith.cmpi eq, %get3A_609, %eq3A_616 : vector<16xi32>
      %jit3A_618 = arith.constant 0.000000e+00 : f32
      %broadcast_in_dim3A_619 = vector.broadcast %jit3A_618 : f32 to vector<16xf32>
      %select_n3A_620 = arith.select %eq3A_617, %get3A_614, %broadcast_in_dim3A_619 : vector<16xi1>, vector<16xf32>
      %add3A_621 = arith.addf %add3A_604, %select_n3A_620 : vector<16xf32>
      %swap3A_622 = arith.constant 7 : i32
      %swap3A_623 = arith.index_cast %swap3A_622 : i32 to index
      %swap3A_624 = arith.constant 0 : index
      %swap3A_625 = tpu.vector_load %arg7[%swap3A_623, %swap3A_624] {strides = array<i32>} : memref<8x32xf32, #tpu.memory_space<vmem>>, vector<1x16xf32>,
      %swap3A_626 = vector.shape_cast %swap3A_625 : vector<1x16xf32> to vector<16xf32>
      %swap3A_627 = vector.shape_cast %add3A_621 : vector<16xf32> to vector<1x16xf32>
      tpu.vector_store %arg7[%swap3A_623, %swap3A_624], %swap3A_627 {strides = array<i32>} : memref<8x32xf32, #tpu.memory_space<vmem>>, vector<1x16xf32>,
      %broadcast_in_dim3A_628 = arith.constant 0.000000e+00 : f32
      %broadcast_in_dim3A_629 = vector.broadcast %broadcast_in_dim3A_628 : f32 to vector<16xf32>
      %get3A_630 = arith.constant 0 : i32
      %get3A_631 = arith.index_cast %get3A_630 : i32 to index
      %get3A_632 = arith.constant 16 : index
      %get3A_633 = tpu.vector_load %arg5[%get3A_631, %get3A_632] {strides = array<i32>} : memref<2x32xi32, #tpu.memory_space<vmem>>, vector<1x16xi32>,
      %get3A_634 = vector.shape_cast %get3A_633 : vector<1x16xi32> to vector<16xi32>
      %get3A_635 = arith.constant 0 : i32
      %get3A_636 = arith.index_cast %get3A_635 : i32 to index
      %get3A_637 = arith.constant 16 : index
      %get3A_638 = tpu.vector_load %arg6[%get3A_636, %get3A_637] {strides = array<i32>} : memref<2x32xf32, #tpu.memory_space<vmem>>, vector<1x16xf32>,
      %get3A_639 = vector.shape_cast %get3A_638 : vector<1x16xf32> to vector<16xf32>
      %eq3A_640 = arith.constant 7 : i32
      %eq3A_641 = vector.broadcast %eq3A_640 : i32 to vector<16xi32>
      %eq3A_642 = arith.cmpi eq, %get3A_634, %eq3A_641 : vector<16xi32>
      %jit3A_643 = arith.constant 0.000000e+00 : f32
      %broadcast_in_dim3A_644 = vector.broadcast %jit3A_643 : f32 to vector<16xf32>
      %select_n3A_645 = arith.select %eq3A_642, %get3A_639, %broadcast_in_dim3A_644 : vector<16xi1>, vector<16xf32>
      %add3A_646 = arith.addf %broadcast_in_dim3A_629, %select_n3A_645 : vector<16xf32>
      %get3A_647 = arith.constant 1 : i32
      %get3A_648 = arith.index_cast %get3A_647 : i32 to index
      %get3A_649 = arith.constant 16 : index
      %get3A_650 = tpu.vector_load %arg5[%get3A_648, %get3A_649] {strides = array<i32>} : memref<2x32xi32, #tpu.memory_space<vmem>>, vector<1x16xi32>,
      %get3A_651 = vector.shape_cast %get3A_650 : vector<1x16xi32> to vector<16xi32>
      %get3A_652 = arith.constant 1 : i32
      %get3A_653 = arith.index_cast %get3A_652 : i32 to index
      %get3A_654 = arith.constant 16 : index
      %get3A_655 = tpu.vector_load %arg6[%get3A_653, %get3A_654] {strides = array<i32>} : memref<2x32xf32, #tpu.memory_space<vmem>>, vector<1x16xf32>,
      %get3A_656 = vector.shape_cast %get3A_655 : vector<1x16xf32> to vector<16xf32>
      %eq3A_657 = arith.constant 7 : i32
      %eq3A_658 = vector.broadcast %eq3A_657 : i32 to vector<16xi32>
      %eq3A_659 = arith.cmpi eq, %get3A_651, %eq3A_658 : vector<16xi32>
      %jit3A_660 = arith.constant 0.000000e+00 : f32
      %broadcast_in_dim3A_661 = vector.broadcast %jit3A_660 : f32 to vector<16xf32>
      %select_n3A_662 = arith.select %eq3A_659, %get3A_656, %broadcast_in_dim3A_661 : vector<16xi1>, vector<16xf32>
      %add3A_663 = arith.addf %add3A_646, %select_n3A_662 : vector<16xf32>
      %swap3A_664 = arith.constant 7 : i32
      %swap3A_665 = arith.index_cast %swap3A_664 : i32 to index
      %swap3A_666 = arith.constant 16 : index
      %swap3A_667 = tpu.vector_load %arg7[%swap3A_665, %swap3A_666] {strides = array<i32>} : memref<8x32xf32, #tpu.memory_space<vmem>>, vector<1x16xf32>,
      %swap3A_668 = vector.shape_cast %swap3A_667 : vector<1x16xf32> to vector<16xf32>
      %swap3A_669 = vector.shape_cast %add3A_663 : vector<16xf32> to vector<1x16xf32>
      tpu.vector_store %arg7[%swap3A_665, %swap3A_666], %swap3A_669 {strides = array<i32>} : memref<8x32xf32, #tpu.memory_space<vmem>>, vector<1x16xf32>,
      "tpu.region"() ({
        %run_scoped3A = tpu.sem_alloc : memref<!tpu.dma_semaphore, #tpu.memory_space<semaphore_mem>>
        tpu.enqueue_dma source(%arg7 : memref<8x32xf32, #tpu.memory_space<vmem>>) target(%arg4 : memref<8x32xf32, #tpu.memory_space<hbm>>) target_semaphore(%run_scoped3A : memref<!tpu.dma_semaphore, #tpu.memory_space<semaphore_mem>>)
        tpu.wait_dma2 semaphore(%run_scoped3A : memref<!tpu.dma_semaphore, #tpu.memory_space<semaphore_mem>>) src(%arg7 : memref<8x32xf32, #tpu.memory_space<vmem>>) dst(%arg4 : memref<8x32xf32, #tpu.memory_space<hbm>>)
        tpu.yield
      }) : () -> ()
    } else {
    }
    return
  }
}

module attributes {stable_mosaic.version = 14 : i64} {
  func.func @_moe_body(%arg0: i32, %arg1: memref<8x32xf32, #tpu.memory_space<vmem>>, %arg2: memref<32x768xf32, #tpu.memory_space<vmem>>, %arg3: memref<1x1x1536x768xf32, #tpu.memory_space<vmem>>, %arg4: memref<1x1x1536x768xf32, #tpu.memory_space<vmem>>, %arg5: memref<1x1x384x1536xf32, #tpu.memory_space<vmem>>, %arg6: memref<1x1x384x1536xf32, #tpu.memory_space<vmem>>, %arg7: memref<32x768xf32, #tpu.memory_space<vmem>>) attributes {dimension_semantics = [#tpu.dimension_semantics<arbitrary>], iteration_bounds = array<i64: 8>, scalar_prefetch = 0 : i64, scratch_operands = 0 : i64, tpu.core_type = #tpu.core_type<tc>, window_params = [{pipeline_mode = #tpu.pipeline_mode<synchronous>, transform_indices = @transform_0, window_bounds = array<i64: 8, 32>}, {pipeline_mode = #tpu.pipeline_mode<synchronous>, transform_indices = @transform_1, window_bounds = array<i64: 32, 768>}, {transform_indices = @transform_2, window_bounds = array<i64: 1, 1, 1536, 768>}, {transform_indices = @transform_3, window_bounds = array<i64: 1, 1, 1536, 768>}, {transform_indices = @transform_4, window_bounds = array<i64: 1, 1, 384, 1536>}, {transform_indices = @transform_5, window_bounds = array<i64: 1, 1, 384, 1536>}, {pipeline_mode = #tpu.pipeline_mode<synchronous>, transform_indices = @transform_6, window_bounds = array<i64: 32, 768>}]} {
    %eq3A = arith.constant 0 : i32
    %eq3A_0 = arith.cmpi eq, %arg0, %eq3A : i32
    %convert_element_type3A = arith.extui %eq3A_0 : i1 to i32
    %cond3A = arith.constant 0 : i32
    %cond3A_1 = arith.cmpi ne, %convert_element_type3A, %cond3A : i32
    scf.if %cond3A_1 {
      %broadcast_in_dim3A = arith.constant 0.000000e+00 : f32
      %broadcast_in_dim3A_60 = vector.broadcast %broadcast_in_dim3A : f32 to vector<32x768xf32>
      %swap3A_61 = arith.constant 0 : index
      %swap3A_62 = arith.constant 0 : index
      %swap3A_63 = vector.load %arg7[%swap3A_61, %swap3A_62] : memref<32x768xf32, #tpu.memory_space<vmem>>, vector<32x768xf32>
      tpu.vector_store %arg7[%swap3A_61, %swap3A_62], %broadcast_in_dim3A_60 {strides = array<i32>} : memref<32x768xf32, #tpu.memory_space<vmem>>, vector<32x768xf32>,
    } else {
    }
    %get3A = arith.constant 0 : index
    %get3A_2 = arith.constant 0 : index
    %get3A_3 = vector.load %arg2[%get3A, %get3A_2] : memref<32x768xf32, #tpu.memory_space<vmem>>, vector<32x768xf32>
    %get3A_4 = arith.constant 0 : index
    %get3A_5 = arith.constant 0 : index
    %get3A_6 = arith.constant 0 : index
    %get3A_7 = arith.constant 0 : index
    %get3A_8 = vector.load %arg3[%get3A_4, %get3A_5, %get3A_6, %get3A_7] : memref<1x1x1536x768xf32, #tpu.memory_space<vmem>>, vector<1x1x1536x768xf32>
    %get3A_9 = vector.shape_cast %get3A_8 : vector<1x1x1536x768xf32> to vector<1536x768xf32>
    %dot_general3A = arith.constant dense<0.000000e+00> : vector<32x1536xf32>
    %dot_general3A_10 = tpu.matmul %get3A_3, %get3A_9, %dot_general3A {dimension_numbers = #tpu.dot_dimension_numbers<[1], [1], [0], [0], [0, 0, 1, 0], [], []>, transpose_lhs_hint = false} : vector<32x768xf32>, vector<1536x768xf32>, vector<32x1536xf32> -> vector<32x1536xf32>
    %get3A_11 = arith.constant 0 : index
    %get3A_12 = arith.constant 0 : index
    %get3A_13 = arith.constant 0 : index
    %get3A_14 = arith.constant 0 : index
    %get3A_15 = vector.load %arg4[%get3A_11, %get3A_12, %get3A_13, %get3A_14] : memref<1x1x1536x768xf32, #tpu.memory_space<vmem>>, vector<1x1x1536x768xf32>
    %get3A_16 = vector.shape_cast %get3A_15 : vector<1x1x1536x768xf32> to vector<1536x768xf32>
    %dot_general3A_17 = arith.constant dense<0.000000e+00> : vector<32x1536xf32>
    %dot_general3A_18 = tpu.matmul %get3A_3, %get3A_16, %dot_general3A_17 {dimension_numbers = #tpu.dot_dimension_numbers<[1], [1], [0], [0], [0, 0, 1, 0], [], []>, transpose_lhs_hint = false} : vector<32x768xf32>, vector<1536x768xf32>, vector<32x1536xf32> -> vector<32x1536xf32>
    %logistic3A = arith.negf %dot_general3A_10 : vector<32x1536xf32>
    %logistic3A_19 = math.exp %logistic3A : vector<32x1536xf32>
    %logistic3A_20 = arith.constant 1.000000e+00 : f32
    %logistic3A_21 = vector.broadcast %logistic3A_20 : f32 to vector<32x1536xf32>
    %logistic3A_22 = arith.addf %logistic3A_21, %logistic3A_19 : vector<32x1536xf32>
    %logistic3A_23 = arith.divf %logistic3A_21, %logistic3A_22 : vector<32x1536xf32>
    %mul3A = arith.mulf %dot_general3A_10, %logistic3A_23 : vector<32x1536xf32>
    %mul3A_24 = arith.mulf %mul3A, %dot_general3A_18 : vector<32x1536xf32>
    %get3A_25 = arith.constant 0 : index
    %get3A_26 = arith.constant 0 : index
    %get3A_27 = arith.constant 0 : index
    %get3A_28 = arith.constant 0 : index
    %get3A_29 = vector.load %arg5[%get3A_25, %get3A_26, %get3A_27, %get3A_28] : memref<1x1x384x1536xf32, #tpu.memory_space<vmem>>, vector<1x1x384x1536xf32>
    %get3A_30 = vector.shape_cast %get3A_29 : vector<1x1x384x1536xf32> to vector<384x1536xf32>
    %dot_general3A_31 = arith.constant dense<0.000000e+00> : vector<32x384xf32>
    %dot_general3A_32 = tpu.matmul %mul3A_24, %get3A_30, %dot_general3A_31 {dimension_numbers = #tpu.dot_dimension_numbers<[1], [1], [0], [0], [0, 0, 1, 0], [], []>, transpose_lhs_hint = false} : vector<32x1536xf32>, vector<384x1536xf32>, vector<32x384xf32> -> vector<32x384xf32>
    %get3A_33 = arith.constant 0 : index
    %get3A_34 = arith.constant 0 : index
    %get3A_35 = arith.constant 0 : index
    %get3A_36 = arith.constant 0 : index
    %get3A_37 = vector.load %arg6[%get3A_33, %get3A_34, %get3A_35, %get3A_36] : memref<1x1x384x1536xf32, #tpu.memory_space<vmem>>, vector<1x1x384x1536xf32>
    %get3A_38 = vector.shape_cast %get3A_37 : vector<1x1x384x1536xf32> to vector<384x1536xf32>
    %dot_general3A_39 = arith.constant dense<0.000000e+00> : vector<32x384xf32>
    %dot_general3A_40 = tpu.matmul %mul3A_24, %get3A_38, %dot_general3A_39 {dimension_numbers = #tpu.dot_dimension_numbers<[1], [1], [0], [0], [0, 0, 1, 0], [], []>, transpose_lhs_hint = false} : vector<32x1536xf32>, vector<384x1536xf32>, vector<32x384xf32> -> vector<32x384xf32>
    %get3A_41 = arith.index_cast %arg0 : i32 to index
    %get3A_42 = arith.constant 0 : index
    %get3A_43 = vector.load %arg1[%get3A_41, %get3A_42] : memref<8x32xf32, #tpu.memory_space<vmem>>, vector<1x32xf32>
    %transpose3A = tpu.transpose %get3A_43, [1, 0] : vector<1x32xf32> -> vector<32x1xf32>
    %get3A_44 = arith.constant 0 : index
    %get3A_45 = arith.constant 0 : index
    %get3A_46 = vector.load %arg7[%get3A_44, %get3A_45] : memref<32x768xf32, #tpu.memory_space<vmem>>, vector<32x384xf32>
    %mul3A_47 = vector.broadcast %transpose3A : vector<32x1xf32> to vector<32x384xf32>
    %mul3A_48 = arith.mulf %mul3A_47, %dot_general3A_32 : vector<32x384xf32>
    %add3A = arith.addf %get3A_46, %mul3A_48 : vector<32x384xf32>
    %swap3A = arith.constant 0 : index
    %swap3A_49 = arith.constant 0 : index
    %swap3A_50 = vector.load %arg7[%swap3A, %swap3A_49] : memref<32x768xf32, #tpu.memory_space<vmem>>, vector<32x384xf32>
    tpu.vector_store %arg7[%swap3A, %swap3A_49], %add3A {strides = array<i32>} : memref<32x768xf32, #tpu.memory_space<vmem>>, vector<32x384xf32>,
    %get3A_51 = arith.constant 0 : index
    %get3A_52 = arith.constant 384 : index
    %get3A_53 = vector.load %arg7[%get3A_51, %get3A_52] : memref<32x768xf32, #tpu.memory_space<vmem>>, vector<32x384xf32>
    %mul3A_54 = vector.broadcast %transpose3A : vector<32x1xf32> to vector<32x384xf32>
    %mul3A_55 = arith.mulf %mul3A_54, %dot_general3A_40 : vector<32x384xf32>
    %add3A_56 = arith.addf %get3A_53, %mul3A_55 : vector<32x384xf32>
    %swap3A_57 = arith.constant 0 : index
    %swap3A_58 = arith.constant 384 : index
    %swap3A_59 = vector.load %arg7[%swap3A_57, %swap3A_58] : memref<32x768xf32, #tpu.memory_space<vmem>>, vector<32x384xf32>
    tpu.vector_store %arg7[%swap3A_57, %swap3A_58], %add3A_56 {strides = array<i32>} : memref<32x768xf32, #tpu.memory_space<vmem>>, vector<32x384xf32>,
    return
  }
  func.func @transform_0(%arg0: i32) -> (i32, i32) {
    %c0_i32 = arith.constant 0 : i32
    %c0_i32_0 = arith.constant 0 : i32
    %c0_i32_1 = arith.constant 0 : i32
    return %c0_i32, %c0_i32_0 : i32, i32
  }
  func.func @transform_1(%arg0: i32) -> (i32, i32) {
    %c0_i32 = arith.constant 0 : i32
    %c0_i32_0 = arith.constant 0 : i32
    %c0_i32_1 = arith.constant 0 : i32
    return %c0_i32, %c0_i32_0 : i32, i32
  }
  func.func @transform_2(%arg0: i32) -> (i32, i32, i32, i32) {
    %c0_i32 = arith.constant 0 : i32
    %c0_i32_0 = arith.constant 0 : i32
    %c0_i32_1 = arith.constant 0 : i32
    %c0_i32_2 = arith.constant 0 : i32
    return %arg0, %c0_i32, %c0_i32_0, %c0_i32_1 : i32, i32, i32, i32
  }
  func.func @transform_3(%arg0: i32) -> (i32, i32, i32, i32) {
    %c1_i32 = arith.constant 1 : i32
    %c0_i32 = arith.constant 0 : i32
    %c0_i32_0 = arith.constant 0 : i32
    %c0_i32_1 = arith.constant 0 : i32
    return %arg0, %c1_i32, %c0_i32, %c0_i32_0 : i32, i32, i32, i32
  }
  func.func @transform_4(%arg0: i32) -> (i32, i32, i32, i32) {
    %c0_i32 = arith.constant 0 : i32
    %c0_i32_0 = arith.constant 0 : i32
    %c0_i32_1 = arith.constant 0 : i32
    %c0_i32_2 = arith.constant 0 : i32
    return %arg0, %c0_i32, %c0_i32_0, %c0_i32_1 : i32, i32, i32, i32
  }
  func.func @transform_5(%arg0: i32) -> (i32, i32, i32, i32) {
    %c1_i32 = arith.constant 1 : i32
    %c0_i32 = arith.constant 0 : i32
    %c0_i32_0 = arith.constant 0 : i32
    %c0_i32_1 = arith.constant 0 : i32
    return %arg0, %c1_i32, %c0_i32, %c0_i32_0 : i32, i32, i32, i32
  }
  func.func @transform_6(%arg0: i32) -> (i32, i32) {
    %c0_i32 = arith.constant 0 : i32
    %c0_i32_0 = arith.constant 0 : i32
    %c0_i32_1 = arith.constant 0 : i32
    return %c0_i32, %c0_i32_0 : i32, i32
  }
}

</mosaic_0001>

<sc_bundles>
// kernel: kernel.4.cloned.1.call-start
scs
__scs_entry_jumppad:
0x0: {  	(pc) =	sbr.rel $0x88, $3  }
0x1: {  	(tag) =	ssettag $0x0;
	lr =	simm.s32 $0x1  }
0x2: {  	[smem:$0x3F9C] =	sst lr;
	_ =	strace $0xD0000000  }
0x3: {  	_ = 	snop  }
0x4: {  	_ = 	snop  }
0x5: {  	_ = 	snop  }
0x6: {  	_ = 	snop  }
0x7: {  	_ = 	snop  }
__scs_overlays_trampoline_lowered:
0x8: {  	[smem:$0x3FAB] =	sst s0  }
0x9: {  	[smem:$0x3FAC] =	sst s1  }
0xa: {  	[smem:$0x3FAD] =	sst s2  }
0xb: {  	[smem:$0x3FAE] =	sst s3  }
0xc: {  	[smem:$0x3FAF] =	sst s4  }
0xd: {  	[smem:$0x3FB0] =	sst s5  }
0xe: {  	[smem:$0x3FB1] =	sst s6  }
0xf: {  	[smem:$0x3FB2] =	sst s7  }
0x10: {  	[smem:$0x3FB3] =	sst s8  }
0x11: {  	[smem:$0x3FB4] =	sst s9;
	s0 =	simm.s32 @!p0 $0x0  }
0x12: {  	s1 =	sld [smem:$0x3F9A];
	s0 =	simm.s32 @p0 $0x1  }
0x13: {  	[smem:$0x3FB5] =	sst s0;
	s0 =	simm.s32 @!p1 $0x0  }
0x14: {  	s2 =	sld [smem:$0x3F99];
	s0 =	simm.s32 @p1 $0x1  }
0x15: {  	[smem:$0x3FB6] =	sst s0;
	s0 =	simm.s32 @!p2 $0x0  }
0x16: {  	s3 =	sld [smem:$0x3FDB];
	s0 =	simm.s32 @p2 $0x1  }
0x17: {  	s4 =	simm.s32 $0x1BF5;
	[smem:$0x3FB8] =	sst s0  }
0x18: {  	s0 =	sld [smem:$0x3F9B];
	_ =	swait.ge [sflag:s4], $0x0  }
0x19: {  	s7 =	sld [smem:$0x3F9C]  }
0x1a: {  	s8 =	sadd.s32 $0xFFFFE003, lr  }
0x1b: {  	s9 =	sadd.s32 $0xFFFFFEF7, lr;
	s5 =	simm.s32 $0xFFFFFFFF;
	p2 =	slt.u32 s8, $0xFFFFF086  }
0x1c: {  	p1 =	slt.u32 s9, $0xF7A;
	s5 =	simm.s32 @!p2 $0x0  }
0x1d: {  	s5 =	simm.s32 @p1 $0x1;
	p0 =	seq.s32 s7, s2  }
0x1e: {  	s7 =	smul.u32 @!p0 $0xF7A, s2;
	p2 =	seq.s32 @!p0 s5, $0x0  }
0x1f: {  	s9 =	smul.u32 $0xF7A, s1;
	s8 =	simm.s32 @!p0 $0x1BF5;
	p2 =	por !p2, p0  }
0x20: {  	[sflag:s8] =	ssyncset.s32 @!p0 $0xFFFFF086;
	s6 =	sadd.s32 @!p0 s3, s7;
	s7 =	simm.s32 @!p0 $0x108  }
0x21: {  	s3 =	sadd.s32 s3, s9;
	s6 =	sadd.s32 @!p0 $0x88, s6;
	s7 =	simm.s32 @p2 $0x1082  }
0x22: {  	[simem:s7], [sflag:s8] =	dma.local @!p0 [hbm:s6], $0xF7A  }
0x23: {  	s9 =	sor.u32 $0xD0000000, s2;
	s6 =	simm.s32 $0x108;
	_ =	swait.ge @!p0 [sflag:s8], $0x0  }
0x24: {  	s3 =	sadd.s32 $0x88, s3;
	s6 =	simm.s32 @!p1 $0x1082;
	[sflag:s4] =	ssyncset.s32 $0xFFFFF086  }
0x25: {  	[simem:s6], [sflag:s4] =	dma.local [hbm:s3], $0xF7A  }
0x26: {  	[smem:$0x3F9C] =	sst s1;
	(tag) =	ssettag s2;
	_ =	strace s9  }
0x27: {  	s1 =	sld [smem:$0x3FAC]  }
0x28: {  	s2 =	sld [smem:$0x3FAD]  }
0x29: {  	s4 =	sld [smem:$0x3FAF]  }
0x2a: {  	p0 =	seq.s32 s5, $0x0;
	s5 =	sld [smem:$0x3FB0]  }
0x2b: {  	s6 =	sld [smem:$0x3FB1]  }
0x2c: {  	s7 =	sld [smem:$0x3FB2]  }
0x2d: {  	s3 =	simm.s32 $0x108;
	s8 =	sld [smem:$0x3FB3]  }
0x2e: {  	s3 =	simm.s32 @!p0 $0x1082;
	s9 =	sld [smem:$0x3FB4]  }
0x2f: {  	lr =	sadd.s32 s0, s3;
	s0 =	sld [smem:$0x3FAB]  }
0x30: {  	s3 =	sld [smem:$0x3FAE]  }
0x31: {  	[smem:$0x3FB7] =	sst s10  }
0x32: {  	s10 =	sld [smem:$0x3FB5];
	_ =	sdelay $0x3  }
0x33: {  	p0 =	seq.s32 s10, $0x1;
	s10 =	sld [smem:$0x3FB7];
	_ =	sdelay $0x3  }
0x34: {  	[smem:$0x3FB7] =	sst s10  }
0x35: {  	s10 =	sld [smem:$0x3FB6];
	_ =	sdelay $0x3  }
0x36: {  	p1 =	seq.s32 s10, $0x1;
	s10 =	sld [smem:$0x3FB7];
	_ =	sdelay $0x3  }
0x37: {  	[smem:$0x3FB7] =	sst s10  }
0x38: {  	s10 =	sld [smem:$0x3FB8]  }
0x39: {  	_ = 	snop;
	(pc) =	sbr.ind lr, $3  }
0x3a: {  	_ = 	snop  }
0x3b: {  	_ = 	snop  }
0x3c: {  	p2 =	seq.s32 s10, $0x1;
	s10 =	sld [smem:$0x3FB7]  }
0x3d: {  	_ =	shalt  }
0x3e: {  	_ =	shalt  }
0x3f: {  	_ =	shalt  }
0x40: {  	_ =	shalt  }
0x41: {  	_ =	shalt  }
0x42: {  	_ =	shalt  }
0x43: {  	_ =	shalt  }
0x44: {  	_ =	shalt  }
0x45: {  	_ =	shalt  }
0x46: {  	_ =	shalt  }
0x47: {  	_ =	shalt  }
0x48: {  	_ =	shalt  }
0x49: {  	_ =	shalt  }
0x4a: {  	_ =	shalt  }
0x4b: {  	_ =	shalt  }
0x4c: {  	_ =	shalt  }
0x4d: {  	_ =	shalt  }
0x4e: {  	_ =	shalt  }
0x4f: {  	_ =	shalt  }
0x50: {  	_ =	shalt  }
0x51: {  	_ =	shalt  }
0x52: {  	_ =	shalt  }
0x53: {  	_ =	shalt  }
0x54: {  	_ =	shalt  }
0x55: {  	_ =	shalt  }
0x56: {  	_ =	shalt  }
0x57: {  	_ =	shalt  }
0x58: {  	_ =	shalt  }
0x59: {  	_ =	shalt  }
0x5a: {  	_ =	shalt  }
0x5b: {  	_ =	shalt  }
0x5c: {  	_ =	shalt  }
0x5d: {  	_ =	shalt  }
0x5e: {  	_ =	shalt  }
0x5f: {  	_ =	shalt  }
0x60: {  	_ =	shalt  }
0x61: {  	_ =	shalt  }
0x62: {  	_ =	shalt  }
0x63: {  	_ =	shalt  }
0x64: {  	_ =	shalt  }
0x65: {  	_ =	shalt  }
0x66: {  	_ =	shalt  }
0x67: {  	_ =	shalt  }
0x68: {  	_ =	shalt  }
0x69: {  	_ =	shalt  }
0x6a: {  	_ =	shalt  }
0x6b: {  	_ =	shalt  }
0x6c: {  	_ =	shalt  }
0x6d: {  	_ =	shalt  }
0x6e: {  	_ =	shalt  }
0x6f: {  	_ =	shalt  }
0x70: {  	_ =	shalt  }
0x71: {  	_ =	shalt  }
0x72: {  	_ =	shalt  }
0x73: {  	_ =	shalt  }
0x74: {  	_ =	shalt  }
0x75: {  	_ =	shalt  }
0x76: {  	_ =	shalt  }
0x77: {  	_ =	shalt  }
0x78: {  	_ =	shalt  }
0x79: {  	_ =	shalt  }
0x7a: {  	_ =	shalt  }
0x7b: {  	_ =	shalt  }
0x7c: {  	_ =	shalt  }
0x7d: {  	_ =	shalt  }
0x7e: {  	_ =	shalt  }
0x7f: {  	_ =	shalt  }
0x80: {  	_ =	shalt  }
0x81: {  	_ =	shalt  }
0x82: {  	_ =	shalt  }
0x83: {  	_ =	shalt  }
0x84: {  	_ =	shalt  }
0x85: {  	_ =	shalt  }
0x86: {  	_ =	shalt  }
0x87: {  	_ =	shalt  }
.Lfunc_end0:
.L_simem_size_0:
called_computation_lowered:
.L_overlay_start_0:
0x88: {  	s2 =	sld [smem:$0x3FD9]  }
0x89: {  	s3 =	sld [smem:$0x3FFE];
	_ =	sdelay $0x1  }
0x8a: {  	s1 =	srdreg.scid  }
0x8b: {  	s0 =	sand.u32 $0x1, s1  }
0x8c: {  	s18 =	sshll.u32 s0, $0xA;
	s2 =	sadd.s32 s3, s2  }
0x8d: {  	s2 =	sadd.s32 s2, s18  }
0x8e: {  	[smem:$0x3FC3] =	sst s2  }
0x8f: {  	_ = 	snop  }
0x90: {  	s2 =	sld [smem:$0x3FC8]  }
0x91: {  	s19 =	sld [smem:$0x3FC7]  }
0x92: {  	s4 =	sld [smem:$0x3FD0];
	(tm) =	ssettm $0x1  }
0x93: {  	s5 =	sld [smem:$0x3FFB];
	_ =	sdelay $0x3  }
0x94: {  	_ =	strace s5  }
0x95: {  	s5 =	sld [smem:$0x3FFC];
	_ =	sdelay $0x3  }
0x96: {  	_ =	strace s5  }
0x97: {  	s5 =	sld [smem:$0x3FFD];
	_ =	sdelay $0x3  }
0x98: {  	_ =	strace s5  }
0x99: {  	_ =	strace $0x8FFFFFFF  }
0x9a: {  	s20 =	sld [smem:$0x3FDB];
	_ =	sdelay $0x1  }
0x9b: {  	s6 =	simm.s32 $_scs_section_size  }
0x9c: {  	s7 =	simm.s32 $_size__tile_overlayer_lowered;
	s8 =	simm.s32 $_tile_overlayer_lowered  }
0x9d: {  	s23 =	simm.s32 $0x1BFF;
	s22 =	sshll.u32 s8, $0x1;
	s5 =	sadd.s32 s6, s20  }
0x9e: {  	s9 =	simm.s32 $0x0;
	s21 =	sshll.u32 s7, $0x1;
	s7 =	sadd.s32 s22, s5  }
0x9f: {  	[timem:s9], [sflag:s23] =	dma.local [hbm:s7], s21  }
0xa0: {  	_ =	swait.ge [sflag:s23], s21  }
0xa1: {  	s6 =	ssub.s32 $0x0, s21;
	[sflag:s23] =	ssyncset.done $0x0  }
0xa2: {  	[sflag:s23] =	ssyncadd.s32 s6;
	_ =	sdelay $0x1  }
0xa3: {  	s24 =	simm.s32 $0x1B8B  }
0xa4: {  	_ =	swait.ge [sflag:s24], $0x1  }
0xa5: {  	[sflag:s24] =	ssyncset.done $0x0  }
0xa6: {  	s25 =	simm.s32 $0x1B8E;
	[sflag:s24] =	ssyncadd.s32 $0xFFFFFFFF  }
0xa7: {  	s26 =	simm.s32 $execute0_lowered;
	[smem:$0x3FD2] =	sst s25  }
0xa8: {  	s6 =	sshll.u32 s26, $0x1;
	_ =	strace $0x80000046;
	[dreg:$0x1] =	wrdreg $0xFFFFFFFF  }
0xa9: {  	s28 =	simm.s32 $_size_execute0_lowered;
	s5 =	sadd.s32 s5, s6;
	[dreg:$0x0] =	wrdreg $0x0  }
0xaa: {  	s6 =	sshll.u32 s28, $0x1;
	[dreg:$0x2] =	wrdreg s5  }
0xab: {  	[dreg:$0x3] =	wrdreg s6  }
0xac: {  	[dreg:$0x4] =	wrdreg $0xC0  }
0xad: {  	_ =	task [dreg:s9], $0x5FFFF  }
0xae: {  	[dreg:$0x1] =	wrdreg $0xFFFFFFFF  }
0xaf: {  	[dreg:$0x0] =	wrdreg $0x60  }
0xb0: {  	[dreg:$0x2] =	wrdreg s2  }
0xb1: {  	[dreg:$0x3] =	wrdreg s19  }
0xb2: {  	[dreg:$0x4] =	wrdreg s4  }
0xb3: {  	[dreg:$0x5] =	wrdreg $0x9  }
0xb4: {  	_ =	task.clear_ibuf [dreg:s9], $0x6FFFF;
	_ =	strace $0x90000046  }
0xb5: {  	s29 =	simm.s32 $0x9;
	_ =	strace $0x80000048  }
0xb6: {  	_ =	swait.ge [sflag:s29], $0x1  }
0xb7: {  	[sflag:s29] =	ssyncadd.s32 $0xFFFFFFFF  }
0xb8: {  	_ =	strace $0x90000048  }
0xb9: {  	_ =	sfence  }
0xba: {  	s30 =	sld [smem:$0x0];
	_ =	sdelay $0x2  }
0xbb: {  	s31 =	sshll.u32 s1, $0xD;
	s1 =	sshrl.u32 s1, $0x2  }
0xbc: {  	s3 =	sand.u32 $0x4000, s31;
	s1 =	sadd.s32 s1, s30  }
0xbd: {  	s0 =	sor.u32 s3, s0;
	s1 =	sshll.u32 s1, $0x11  }
0xbe: {  	s0 =	sor.u32 s1, s0  }
0xbf: {  	s0 =	sadd.s32 $0x8F2B, s0  }
0xc0: {  	[sflag:s0] =	ssyncadd.remote.s32 $0x1  }
0xc1: {  	_ =	sfence.sel $0xFFFF  }
0xc2: {  	[dreg:$0x0] =	wrdreg $0xFFFFFFFF;
	(pc) =	sbr.abs _section_cstart, $3  }
0xc3: {  	[dreg:$0x1] =	wrdreg $0xFFFFFFFF  }
0xc4: {  	_ =	task.clear_ibuf [dreg:s9], $0x2FFFF;
	_ =	strace $0x9FFFFFFF  }
0xc5: {  	(tm) =	ssettm $0x7FFFFFFF  }
tec
execute0_lowered:
.L_overlay_start_1:
0x0: {  	(tag) =	ssettag $0x1  }
0x1: {  	s0 =	srdreg.scid  }
0x2: {  	s5 =	sand.u32 $0x1, s0;
	s0 =	stileid.u32  }
0x3: {  	s6 =	sshll.u32 s0, $0x1;
	s7 =	ssub.s32 $0x0, s5  }
0x4: {  	p0 =	sne.s32 s6, s7  }
.Ltmp0:
0x5: {  	_ = 	snop;
	(pc) =	sbr.rel @p0 .LBB2_3-.Ltmp0, $4  }
0x6: {  	s1 =	rddreg [dreg:$0x0]  }
0x7: {  	s3 =	rddreg [dreg:$0x1]  }
0x8: {  	s4 =	rddreg [dreg:$0x2]  }
0x9: {  	s2 =	rddreg [dreg:$0x3];
	_ =	strace $0x80000047  }
0xa: {  	s5 =	ssub.s32 $0x2, s5  }
0xb: {  	s6 =	sshrl.u32 s5, $0x1  }
0xc: {  	s7 =	simm.s32 $0x1;
	s8 =	simm.s32 $0x100;
	s5 =	ssub.s32 s5, s6  }
0xd: {  	s9 =	simm.s32 $0x200;
	s6 =	simm.s32 $0x0;
	s5 =	smax.u32 s5, $0x1  }
.LBB2_2:
0xe: {  	[tilespmem:s6], [sflag:$0x1] =	stream.linear.gather [hbm4b:s1+s6], $0x100, $0x38;
	[tilespmem:$0x600] =	vst v63  }
0xf: {  	_ =	swait.ge [sflag:s7], $0x100  }
0x10: {  	[sflag:s7] =	ssyncset.done $0x0  }
0x11: {  	[sflag:s7] =	ssyncadd.s32 $0xFFFFFF00  }
0x12: {  	[tilespmem:s8], [sflag:$0x1] =	stream.linear.gather [hbm4b:s3+s6], $0x100, $0x38;
	[tilespmem:$0x600] =	vst v63  }
0x13: {  	_ =	swait.ge [sflag:s7], $0x100  }
0x14: {  	[sflag:s7] =	ssyncset.done $0x0  }
0x15: {  	[sflag:s7] =	ssyncadd.s32 $0xFFFFFF00  }
0x16: {  	v0 =	vld [tilespmem:$0x0]  }
0x17: {  	v1 =	vld [tilespmem:$0x100]  }
0x18: {  	v2 =	vld [tilespmem:$0x80]  }
0x19: {  	v3 =	vld [tilespmem:$0x180]  }
0x1a: {  	v4 =	vld [tilespmem:$0x10]  }
0x1b: {  	v5 =	vld [tilespmem:$0x110]  }
0x1c: {  	v6 =	vld [tilespmem:$0x90]  }
0x1d: {  	v7 =	vld [tilespmem:$0x190]  }
0x1e: {  	v8 =	vld [tilespmem:$0x0]  }
0x1f: {  	v9 =	vld [tilespmem:$0x100]  }
0x20: {  	v10 =	vld [tilespmem:$0x80]  }
0x21: {  	v11 =	vld [tilespmem:$0x180]  }
0x22: {  	v12 =	vld [tilespmem:$0x10]  }
0x23: {  	v13 =	vld [tilespmem:$0x110]  }
0x24: {  	v14 =	vld [tilespmem:$0x90]  }
0x25: {  	v15 =	vld [tilespmem:$0x190]  }
0x26: {  	v16 =	vld [tilespmem:$0x0]  }
0x27: {  	v17 =	vld [tilespmem:$0x100]  }
0x28: {  	v18 =	vld [tilespmem:$0x80]  }
0x29: {  	v19 =	vld [tilespmem:$0x180]  }
0x2a: {  	v20 =	vld [tilespmem:$0x10]  }
0x2b: {  	v21 =	vld [tilespmem:$0x110]  }
0x2c: {  	v22 =	vld [tilespmem:$0x90]  }
0x2d: {  	v23 =	vld [tilespmem:$0x190]  }
0x2e: {  	v24 =	vld [tilespmem:$0x0]  }
0x2f: {  	v25 =	vld [tilespmem:$0x100]  }
0x30: {  	v26 =	vld [tilespmem:$0x80]  }
0x31: {  	v27 =	vld [tilespmem:$0x180]  }
0x32: {  	v28 =	vld [tilespmem:$0x10]  }
0x33: {  	v29 =	vld [tilespmem:$0x110]  }
0x34: {  	v30 =	vld [tilespmem:$0x90]  }
0x35: {  	v31 =	vld [tilespmem:$0x190]  }
0x36: {  	v32 =	vld [tilespmem:$0x0]  }
0x37: {  	v33 =	vld [tilespmem:$0x100]  }
0x38: {  	v34 =	vld [tilespmem:$0x80]  }
0x39: {  	v35 =	vld [tilespmem:$0x180]  }
0x3a: {  	v36 =	vld [tilespmem:$0x10]  }
0x3b: {  	v38 =	vld [tilespmem:$0x110];
	v1 =	vadd.f32 $0.0e+00, v1;
	vm0 =	veq.s32 v0, $0x0  }
0x3c: {  	v40 =	vld [tilespmem:$0x90];
	vm10 =	veq.s32 v2, $0x0;
	v39 =	vadd.f32 $0.0e+00, v5;
	vm11 =	veq.s32 v4, $0x0  }
0x3d: {  	v42 =	vld [tilespmem:$0x100];
	vm1 =	veq.s32 v6, $0x0;
	v41 =	vadd.f32 $0.0e+00, v9;
	vm12 =	veq.s32 v8, $0x1  }
0x3e: {  	v45 =	vld [tilespmem:$0x80];
	vm13 =	veq.s32 v10, $0x1;
	v44 =	vadd.f32 $0.0e+00, v13;
	vm14 =	veq.s32 v12, $0x1  }
0x3f: {  	v48 =	vld [tilespmem:$0x10];
	vm15 =	veq.s32 v14, $0x1;
	v47 =	vadd.f32 $0.0e+00, v17;
	vm4 =	veq.s32 v16, $0x2  }
0x40: {  	v49 =	vld [tilespmem:$0x110];
	vm5 =	veq.s32 v18, $0x2;
	v51 =	vadd.f32 $0.0e+00, v21;
	vm6 =	veq.s32 v20, $0x2  }
0x41: {  	v52 =	vld [tilespmem:$0x90];
	vm7 =	veq.s32 v22, $0x2;
	v56 =	vadd.f32 $0.0e+00, v25;
	vm8 =	veq.s32 v24, $0x3  }
0x42: {  	v61 =	vld [tilespmem:$0x80];
	vm9 =	veq.s32 v26, $0x3;
	v60 =	vadd.f32 $0.0e+00, v29;
	v0 =	vadd.f32 $0.0e+00, v38  }
0x43: {  	v54 =	vld [tilespmem:$0x190];
	v3 =	vnsel vm10, $0x0, v3;
	v6 =	vnsel vm1, $0x0, v7;
	v10 =	vnsel vm13, $0x0, v11  }
0x44: {  	v57 =	vld [tilespmem:$0x0];
	v46 =	vnsel vm15, $0x0, v15;
	v53 =	vnsel vm5, $0x0, v19;
	v55 =	vnsel vm7, $0x0, v23  }
0x45: {  	v58 =	vld [tilespmem:$0x100];
	v62 =	vnsel vm9, $0x0, v27;
	vm10 =	veq.s32 v28, $0x3;
	vm13 =	veq.s32 v34, $0x4  }
0x46: {  	v63 =	vld [tilespmem:$0x180];
	vm15 =	veq.s32 v40, $0x4;
	vm5 =	veq.s32 v45, $0x5;
	v45 =	vadd.f32 $0.0e+00, v49  }
0x47: {  	v4 =	vld [tilespmem:$0x190];
	vm7 =	veq.s32 v52, $0x5;
	vm9 =	veq.s32 v61, $0x6;
	v1 =	vnsel vm0, $0x0, v1  }
0x48: {  	v9 =	vld [tilespmem:$0x0];
	v2 =	vnsel vm11, $0x0, v39;
	v43 =	vnsel vm12, $0x0, v41;
	v7 =	vnsel vm14, $0x0, v44  }
0x49: {  	v38 =	vld [tilespmem:$0x90];
	v50 =	vnsel vm4, $0x0, v47;
	v13 =	vnsel vm6, $0x0, v51;
	v59 =	vnsel vm8, $0x0, v56  }
0x4a: {  	v11 =	vld [tilespmem:$0x180];
	vm11 =	veq.s32 v30, $0x3;
	v19 =	vnsel vm10, $0x0, v60;
	v30 =	vadd.f32 $0.0e+00, v33  }
0x4b: {  	v40 =	vld [tilespmem:$0x190];
	vm12 =	veq.s32 v32, $0x4;
	vm14 =	veq.s32 v36, $0x4;
	v39 =	vnsel vm13, $0x0, v35  }
0x4c: {  	v52 =	vld [tilespmem:$0x110];
	vm6 =	veq.s32 v48, $0x5;
	v49 =	vnsel vm7, $0x0, v54;
	v1 =	vadd.f32 v3, v1  }
0x4d: {  	v33 =	vld [tilespmem:$0x110];
	vm8 =	veq.s32 v57, $0x6;
	v2 =	vadd.f32 v6, v2;
	v6 =	vadd.f32 v10, v43  }
0x4e: {  	v44 =	vld [tilespmem:$0x100];
	v56 =	vnsel vm9, $0x0, v63;
	v7 =	vadd.f32 v46, v7;
	v12 =	vadd.f32 v53, v50;
	[tilespmem:$0x200] =	vst v1  }
0x4f: {  	v51 =	vld [tilespmem:$0x10];
	v13 =	vadd.f32 v55, v13;
	v29 =	vnsel vm11, $0x0, v31;
	v18 =	vadd.f32 v62, v59;
	[tilespmem:$0x210] =	vst v2  }
0x50: {  	v31 =	vld [tilespmem:$0x10];
	v0 =	vnsel vm14, $0x0, v0;
	v3 =	vadd.f32 $0.0e+00, v42;
	v50 =	vadd.f32 $0.0e+00, v58;
	[tilespmem:$0x280] =	vst v6  }
0x51: {  	v42 =	vld [tilespmem:$0x0];
	v19 =	vadd.f32 v29, v19;
	v37 =	vnsel vm12, $0x0, v30;
	v41 =	vnsel vm15, $0x0, v4;
	[tilespmem:$0x290] =	vst v7  }
0x52: {  	v46 =	vld [tilespmem:$0x80];
	v43 =	vadd.f32 v39, v37;
	vm4 =	veq.s32 v9, $0x5;
	[tilespmem:$0x300] =	vst v12;
	v6 =	vnsel vm6, $0x0, v45  }
0x53: {  	v55 =	vld [tilespmem:$0x90];
	[tilespmem:$0x310] =	vst v13;
	v53 =	vnsel vm8, $0x0, v50;
	v0 =	vadd.f32 v41, v0;
	v3 =	vnsel vm4, $0x0, v3  }
0x54: {  	v48 =	vld [tilespmem:$0x180];
	[tilespmem:$0x380] =	vst v18;
	v47 =	vnsel vm5, $0x0, v11;
	v6 =	vadd.f32 v49, v6;
	v59 =	vadd.f32 v56, v53  }
0x55: {  	v57 =	vld [tilespmem:$0x190];
	vm11 =	veq.s32 v38, $0x6;
	[tilespmem:$0x390] =	vst v19;
	v60 =	vadd.f32 $0.0e+00, v52;
	v3 =	vadd.f32 v47, v3  }
0x56: {  	v5 =	vnsel vm11, $0x0, v40;
	v54 =	vadd.f32 $0.0e+00, v33;
	[tilespmem:$0x400] =	vst v43;
	v1 =	vadd.f32 $0.0e+00, v44  }
0x57: {  	vm14 =	veq.s32 v51, $0x7;
	vm10 =	veq.s32 v31, $0x6;
	[tilespmem:$0x410] =	vst v0;
	vm12 =	veq.s32 v42, $0x7  }
0x58: {  	vm13 =	veq.s32 v46, $0x7;
	[tilespmem:$0x490] =	vst v6;
	vm15 =	veq.s32 v55, $0x7;
	v58 =	vnsel vm10, $0x0, v54  }
0x59: {  	[tilespmem:$0x500] =	vst v59;
	v1 =	vnsel vm12, $0x0, v1;
	v61 =	vnsel vm13, $0x0, v48;
	v2 =	vadd.f32 v5, v58  }
0x5a: {  	[tilespmem:$0x480] =	vst v3;
	v3 =	vnsel vm14, $0x0, v60;
	v63 =	vnsel vm15, $0x0, v57;
	v62 =	vadd.f32 v61, v1  }
0x5b: {  	v1 =	vadd.f32 v63, v3;
	[tilespmem:$0x510] =	vst v2  }
0x5c: {  	p0 =	sne.s32 s5, $0x1;
	[tilespmem:$0x580] =	vst v62  }
.Ltmp1:
0x5d: {  	[tilespmem:$0x590] =	vst v1;
	(pc) =	sbr.rel @p0 .LBB2_2-.Ltmp1, $4  }
0x5e: {  	[hbm4b:s4+s6] =	stream.linear.scatter [tilespmem:s9], [sflag:$0x1], $0x400, $0x38;
	[tilespmem:$0x600] =	vst v63  }
0x5f: {  	_ =	swait.ge [sflag:s7], $0x400  }
0x60: {  	[sflag:s7] =	ssyncset.done $0x0  }
0x61: {  	s5 =	sadd.s32 $0xFFFFFFFF, s5;
	[sflag:s7] =	ssyncadd.s32 $0xFFFFFC00  }
.LBB2_3:
0x62: {  	_ =	sfence.sel $0x180000  }
0x63: {  	[bflag:$0x0] =	sbarrier.arrive $0xFFFF  }
0x64: {  	p0 =	sne.s32 s0, $0x0;
	_ =	strace $0x90000047  }
0x65: {  	s0 =	sadd.s32 @!p0 $0x100000, s2;
	[bflag:$0x2] =	sbarrier.arrive $0xFFFF  }
0x66: {  	[sflag:s0] =	ssyncadd.tile.s32 @!p0 $0x1;
	_ =	shalt  }
.Lfunc_end2:
_tile_overlayer_lowered:
.L_overlay_start_2:
0x67: {  	(tag) =	ssettag $0x2  }
0x68: {  	s0 =	rddreg [dreg:$0x0];
	s2 =	stileid.u32  }
0x69: {  	s1 =	rddreg [dreg:$0x1];
	p0 =	sne.s32 s2, $0x0  }
0x6a: {  	s3 =	rddreg [dreg:$0x2];
	[bflag:$0x3] =	sbarrier.arrive $0xFFFF;
	s2 =	simm.s32 @!p0 $0x1C01  }
0x6b: {  	[timem:s3], [sflag:s2] =	dma.local @!p0 [hbm:s0], s1  }
0x6c: {  	s0 =	simm.s32 @!p0 $0x1  }
0x6d: {  	_ =	swait.ge @!p0 [sflag:s0], s1  }
0x6e: {  	s1 =	ssub.s32 @!p0 $0x0, s1;
	[sflag:s0] =	ssyncset.done @!p0 $0x0  }
0x6f: {  	[sflag:s0] =	ssyncadd.s32 @!p0 s1  }
0x70: {  	[bflag:$0x3] =	sbarrier.arrive $0xFFFF  }
0x71: {  	_ =	shalt  }

</sc_bundles>
